<compile_context>
chip_gen: v7x
topology: tpu7x:2x2x1
jax: 0.10.2.dev20260603
libtpu: 0.0.44.dev20260713+nightly
codegen_flags: <defaults>
</compile_context>

<pallas_src>
import functools

import jax
import jax.numpy as jnp
from jax import lax
from jax.experimental import pallas as pl
from jax.experimental.pallas import tpu as pltpu
from jax.experimental.pallas import tpu_sc as plsc

NL = 10000
NP = 50000
E = 800000
L = 32
P = 32
RU = 256
T = 4
MS = 16

NLP = 10112
EPAD = 819200
STRIPS = 200
EPW = 25600
CP = 1000
NCH = 50
NCH0 = 25
CROWS = MS * CP
TRASH = CROWS
HCH = 25600
HROWS = 25728
HTRASH = HCH
NPH = 2 * HCH
AR = NLP // 16

_SC_PARAMS = pltpu.CompilerParams(use_tc_tiling_on_sc=False)


@functools.lru_cache(maxsize=1)
def _get_mesh():
    return plsc.VectorSubcoreMesh(core_axis_name="c", subcore_axis_name="s",
                                  num_cores=2, num_subcores=16)


def _hist_body(paths_hbm, zeros_hbm, ones_hbm, out_hbm, idxp, idxh, ones_v,
               zb, stage, cnt_sh, sem):
    core = lax.axis_index("c")
    sub = lax.axis_index("s")
    wid = core * 16 + sub
    pltpu.sync_copy(zeros_hbm, zb)
    pltpu.sync_copy(ones_hbm, ones_v)
    base = wid * EPW
    for hpass in range(2):
        lo = hpass * HCH
        for off, sz in ((0, 640), (640, 640), (1280, 328)):
            pltpu.sync_copy(zb.at[pl.ds(0, sz)],
                            cnt_sh.at[pl.ds(sub * 1608 + off, sz)])
        plsc.subcore_barrier()

        @pl.loop(0, STRIPS)
        def _strip(k):
            s = base + k * 128
            pltpu.sync_copy(paths_hbm.at[pl.ds(s, 128)], idxp)
            for g in range(8):
                pv = idxp[pl.ds(g * 16, 16)]
                inr = (pv >= lo) & (pv < lo + HCH)
                idxh[pl.ds(g * 16, 16)] = jnp.where(inr, pv - lo, HTRASH)
            pltpu.sync_copy(ones_v, cnt_sh.at[idxh], add=True)

        plsc.subcore_barrier()
        pltpu.sync_copy(cnt_sh.at[pl.ds(sub * 1600, 1600)], stage)
        pltpu.sync_copy(stage, out_hbm.at[core, pl.ds(lo + sub * 1600, 1600)])
        plsc.subcore_barrier()


@jax.jit
def _sc_hist(paths_p, zeros16, ones16):
    k = pl.kernel(
        _hist_body,
        out_type=jax.ShapeDtypeStruct((2, NPH, 16), jnp.float32),
        mesh=_get_mesh(),
        compiler_params=_SC_PARAMS,
        scratch_types=[
            pltpu.VMEM((128,), jnp.int32),
            pltpu.VMEM((128,), jnp.int32),
            pltpu.VMEM((128, 16), jnp.float32),
            pltpu.VMEM((640, 16), jnp.float32),
            pltpu.VMEM((1600, 16), jnp.float32),
            pltpu.VMEM_SHARED((HROWS, 16), jnp.float32),
            pltpu.SemaphoreType.DMA,
        ],
    )
    return k(paths_p, zeros16, ones16)


def _build_body(lsrc_hbm, links_hbm, paths_hbm, seq_hbm, bnd_hbm, zeros_hbm,
                xs_hbm, idxp, idxs, idxl, idxd, rows_v, zb, bnd_v, stage,
                buf_sh, sem):
    core = lax.axis_index("c")
    sub = lax.axis_index("s")
    is0 = core == 0
    pltpu.sync_copy(zeros_hbm, zb)
    pltpu.sync_copy(bnd_hbm, bnd_v)

    for li in range(NCH0):
        cbase = jnp.where(is0, li * CP, (NCH0 + li) * CP)
        lo0 = bnd_v[li, pl.ds(0, 16)][0]
        hi0 = bnd_v[li + 1, pl.ds(0, 16)][0]
        lo1 = bnd_v[NCH0 + li, pl.ds(0, 16)][0]
        hi1 = bnd_v[NCH0 + li + 1, pl.ds(0, 16)][0]
        lo = jnp.where(is0, lo0, lo1)
        hi = jnp.where(is0, hi0, hi1)
        for off, sz in ((0, 640), (640, 360)):
            pltpu.sync_copy(zb.at[pl.ds(0, sz)],
                            buf_sh.at[pl.ds(sub * CP + off, sz)])
        plsc.subcore_barrier()
        nE = hi - lo
        q = (nE + 15) // 16
        p0 = lo + jnp.minimum(sub * q, nE)
        p1 = lo + jnp.minimum(sub * q + q, nE)
        a = (p0 // 8) * 8
        nstrips = (p1 - a + 127) // 128

        def strip_body(k, _, a=a, p0=p0, p1=p1, cbase=cbase):
            s = a + k * 128
            pltpu.sync_copy(paths_hbm.at[pl.ds(s, 128)], idxp)
            pltpu.sync_copy(seq_hbm.at[pl.ds(s, 128)], idxs)
            pltpu.sync_copy(links_hbm.at[pl.ds(s, 128)], idxl)
            for g in range(8):
                ii = s + g * 16 + lax.iota(jnp.int32, 16)
                pv = idxp[pl.ds(g * 16, 16)]
                sv = idxs[pl.ds(g * 16, 16)]
                inr = (ii >= p0) & (ii < p1)
                inr &= (pv >= cbase) & (pv < cbase + CP)
                d = sv * CP + (pv - cbase)
                idxd[pl.ds(g * 16, 16)] = jnp.where(inr, d, TRASH)
            pltpu.async_copy(lsrc_hbm.at[idxl], rows_v, sem).wait()
            pltpu.sync_copy(rows_v, buf_sh.at[idxd], add=True)
            return 0

        lax.fori_loop(0, nstrips, strip_body, 0)
        plsc.subcore_barrier()
        pltpu.sync_copy(buf_sh.at[pl.ds(sub * CP, CP)], stage)
        pltpu.sync_copy(stage, xs_hbm.at[pl.ds(sub * NP + cbase, CP)])
        plsc.subcore_barrier()


@jax.jit
def _sc_build(lsrc, links_p, paths_p, seq_p, bnd, zeros640):
    k = pl.kernel(
        _build_body,
        out_type=jax.ShapeDtypeStruct((MS * NP, 32), jnp.float32),
        mesh=_get_mesh(),
        compiler_params=_SC_PARAMS,
        scratch_types=[
            pltpu.VMEM((128,), jnp.int32),
            pltpu.VMEM((128,), jnp.int32),
            pltpu.VMEM((128,), jnp.int32),
            pltpu.VMEM((128,), jnp.int32),
            pltpu.VMEM((128, 32), jnp.float32),
            pltpu.VMEM((640, 32), jnp.float32),
            pltpu.VMEM((64, 128), jnp.int32),
            pltpu.VMEM((CP, 32), jnp.float32),
            pltpu.VMEM_SHARED((CROWS + 8, 32), jnp.float32),
            pltpu.SemaphoreType.DMA,
        ],
    )
    return k(lsrc, links_p, paths_p, seq_p, bnd, zeros640)


def _agg_body(outs_hbm, links_hbm, paths_hbm, seq_hbm, zeros_hbm, out_hbm,
              idxp, idxs, idxl, idxf, rows_v, zb, stage, agg_sh, sem):
    core = lax.axis_index("c")
    sub = lax.axis_index("s")
    wid = core * 16 + sub
    pltpu.sync_copy(zeros_hbm, zb)
    pltpu.sync_copy(zb.at[pl.ds(0, AR)], agg_sh.at[pl.ds(sub * AR, AR)])
    plsc.subcore_barrier()
    base = wid * EPW

    @pl.loop(0, STRIPS)
    def _strip(k):
        s = base + k * 128
        pltpu.sync_copy(paths_hbm.at[pl.ds(s, 128)], idxp)
        pltpu.sync_copy(seq_hbm.at[pl.ds(s, 128)], idxs)
        pltpu.sync_copy(links_hbm.at[pl.ds(s, 128)], idxl)
        for g in range(8):
            pv = idxp[pl.ds(g * 16, 16)]
            sv = idxs[pl.ds(g * 16, 16)]
            idxf[pl.ds(g * 16, 16)] = sv * NP + pv
        pltpu.async_copy(outs_hbm.at[idxf], rows_v, sem).wait()
        pltpu.sync_copy(rows_v, agg_sh.at[idxl], add=True)

    plsc.subcore_barrier()
    pltpu.sync_copy(agg_sh.at[pl.ds(sub * AR, AR)], stage)
    pltpu.sync_copy(stage, out_hbm.at[core, pl.ds(sub * AR, AR)])


@jax.jit
def _sc_agg(outs_flat, links_p, paths_p, seq_p, zeros640):
    k = pl.kernel(
        _agg_body,
        out_type=jax.ShapeDtypeStruct((2, NLP, 32), jnp.float32),
        mesh=_get_mesh(),
        compiler_params=_SC_PARAMS,
        scratch_types=[
            pltpu.VMEM((128,), jnp.int32),
            pltpu.VMEM((128,), jnp.int32),
            pltpu.VMEM((128,), jnp.int32),
            pltpu.VMEM((128,), jnp.int32),
            pltpu.VMEM((128, 32), jnp.float32),
            pltpu.VMEM((640, 32), jnp.float32),
            pltpu.VMEM((AR, 32), jnp.float32),
            pltpu.VMEM_SHARED((NLP, 32), jnp.float32),
            pltpu.SemaphoreType.DMA,
        ],
    )
    return k(outs_flat, links_p, paths_p, seq_p, zeros640)


def _sigmoid(x):
    return 1.0 / (1.0 + jnp.exp(-x))


_SELU_SCALE = 1.0507009873554805
_SELU_ALPHA = 1.6732632423543772


def _selu(x):
    return _SELU_SCALE * jnp.where(x > 0, x, _SELU_ALPHA * (jnp.exp(x) - 1.0))


def _bnd_kernel(cnt_ref, seq_ref, bnd_ref):
    s = cnt_ref[0] + cnt_ref[1]
    hp = lax.Precision.HIGHEST
    rowsum = jnp.dot(s, jnp.ones((128, 1), jnp.float32),
                     precision=hp)
    vr = lax.broadcasted_iota(jnp.int32, (NCH, NP // 8), 1)
    cc = lax.broadcasted_iota(jnp.int32, (NCH, NP // 8), 0)
    sel = (vr // (CP // 8) == cc).astype(jnp.float32)
    cs = jnp.dot(sel, rowsum[:NP // 8], precision=hp) * (1.0 / 16.0)
    csb = jnp.broadcast_to(cs, (NCH, 128))
    ii = lax.broadcasted_iota(jnp.int32, (NCH + 1, NCH), 0)
    jj = lax.broadcasted_iota(jnp.int32, (NCH + 1, NCH), 1)
    tri = (jj < ii).astype(jnp.float32)
    bnd = jnp.dot(tri, csb, precision=hp)
    maxlen = (jnp.max(seq_ref[...]) + 1).astype(jnp.float32)
    mrow = jnp.full((1, 128), maxlen, jnp.float32)
    out = jnp.concatenate(
        [bnd, mrow, jnp.zeros((64 - NCH - 2, 128), jnp.float32)], axis=0)
    bnd_ref[...] = out.astype(jnp.int32)


@jax.jit
def _tc_bnd(cnt2, seq2d):
    return pl.pallas_call(
        _bnd_kernel,
        in_specs=[
            pl.BlockSpec((2, NPH // 8, 128), lambda: (0, 0, 0)),
            pl.BlockSpec(seq2d.shape, lambda: (0, 0)),
        ],
        out_specs=pl.BlockSpec((64, 128), lambda: (0, 0)),
        out_shape=jax.ShapeDtypeStruct((64, 128), jnp.int32),
    )(cnt2, seq2d)


_BP = 2000


def _mask_kernel(cnt_ref, bnd_ref, mask_ref):
    lens = cnt_ref[0] + cnt_ref[1]
    lens_col = lens[:, 0:1]
    maxlen = bnd_ref[NCH + 1:NCH + 2, 0:1].astype(jnp.float32)
    leff = jnp.minimum(lens_col, maxlen).astype(jnp.int32)
    tt = lax.broadcasted_iota(jnp.int32, (_BP, MS), 1)
    mask_ref[...] = (tt < leff).astype(jnp.float32)


@jax.jit
def _tc_mask(counts, bnd):
    return pl.pallas_call(
        _mask_kernel,
        grid=(NP // _BP,),
        in_specs=[
            pl.BlockSpec((2, _BP, 16), lambda i: (0, i, 0)),
            pl.BlockSpec((64, 128), lambda i: (0, 0)),
        ],
        out_specs=pl.BlockSpec((_BP, MS), lambda i: (i, 0)),
        out_shape=jax.ShapeDtypeStruct((NP, MS), jnp.float32),
    )(counts, bnd)


_GB = 1000


def _gru_scan_kernel(xs_ref, mask_ref, h_ref, wx_ref, wh_ref, bx_ref, bh_ref,
                     outs_ref, hout_ref):
    h = h_ref[...]
    wx = wx_ref[...]
    wh = wh_ref[...]
    bx = bx_ref[...]
    bh = bh_ref[...]
    mblk = mask_ref[...]
    for t in range(MS):
        xt = xs_ref[t] @ wx + bx
        hs = h @ wh + bh
        z = _sigmoid(xt[:, :P] + hs[:, :P])
        r = _sigmoid(xt[:, P:2 * P] + hs[:, P:2 * P])
        hh = jnp.tanh(xt[:, 2 * P:] + r * hs[:, 2 * P:])
        hn = z * h + (1.0 - z) * hh
        m = mblk[:, t:t + 1]
        h = m * hn + (1.0 - m) * h
        outs_ref[t] = h
    hout_ref[...] = h


@jax.jit
def _tc_gru(xs3, mask, h, wx, wh, bx, bh):
    grid = (NP // _GB,)
    return pl.pallas_call(
        _gru_scan_kernel,
        grid=grid,
        in_specs=[
            pl.BlockSpec((MS, _GB, 32), lambda i: (0, i, 0)),
            pl.BlockSpec((_GB, MS), lambda i: (i, 0)),
            pl.BlockSpec((_GB, P), lambda i: (i, 0)),
            pl.BlockSpec((P, 3 * P), lambda i: (0, 0)),
            pl.BlockSpec((P, 3 * P), lambda i: (0, 0)),
            pl.BlockSpec((1, 3 * P), lambda i: (0, 0)),
            pl.BlockSpec((1, 3 * P), lambda i: (0, 0)),
        ],
        out_specs=[
            pl.BlockSpec((MS, _GB, 32), lambda i: (0, i, 0)),
            pl.BlockSpec((_GB, P), lambda i: (i, 0)),
        ],
        out_shape=[
            jax.ShapeDtypeStruct((MS, NP, 32), jnp.float32),
            jax.ShapeDtypeStruct((NP, P), jnp.float32),
        ],
    )(xs3, mask, h, wx, wh, bx, bh)


def _link_kernel(agg_ref, h_ref, wx_ref, wh_ref, bx_ref, bh_ref, o_ref):
    x = agg_ref[0] + agg_ref[1]
    h = h_ref[...]
    xs = x @ wx_ref[...] + bx_ref[...]
    hs = h @ wh_ref[...] + bh_ref[...]
    z = _sigmoid(xs[:, :L] + hs[:, :L])
    r = _sigmoid(xs[:, L:2 * L] + hs[:, L:2 * L])
    hh = jnp.tanh(xs[:, 2 * L:] + r * hs[:, 2 * L:])
    o_ref[...] = z * h + (1.0 - z) * hh


@jax.jit
def _tc_link(agg2, lstate, wx, wh, bx, bh):
    return pl.pallas_call(
        _link_kernel,
        in_specs=[
            pl.BlockSpec((2, NLP, 32), lambda: (0, 0, 0)),
            pl.BlockSpec((NLP, 32), lambda: (0, 0)),
            pl.BlockSpec((P, 3 * L), lambda: (0, 0)),
            pl.BlockSpec((L, 3 * L), lambda: (0, 0)),
            pl.BlockSpec((1, 3 * L), lambda: (0, 0)),
            pl.BlockSpec((1, 3 * L), lambda: (0, 0)),
        ],
        out_specs=pl.BlockSpec((NLP, 32), lambda: (0, 0)),
        out_shape=jax.ShapeDtypeStruct((NLP, 32), jnp.float32),
    )(agg2, lstate, wx, wh, bx, bh)


def _mlp_kernel(x_ref, w1_ref, b1_ref, w2_ref, b2_ref, w3_ref, b3_ref, o_ref):
    x = x_ref[...]
    r = x @ w1_ref[...] + b1_ref[...]
    r = _selu(r)
    r = r @ w2_ref[...] + b2_ref[...]
    r = jnp.maximum(r, 0.0)
    o_ref[...] = r @ w3_ref[...] + b3_ref[...]


_RB = 2000


@jax.jit
def _readout(path_state, W1, b1, W2, b2, W3, b3):
    return pl.pallas_call(
        _mlp_kernel,
        grid=(NP // _RB,),
        in_specs=[
            pl.BlockSpec((_RB, P), lambda i: (i, 0)),
            pl.BlockSpec((P, RU), lambda i: (0, 0)),
            pl.BlockSpec((1, RU), lambda i: (0, 0)),
            pl.BlockSpec((RU, RU), lambda i: (0, 0)),
            pl.BlockSpec((1, RU), lambda i: (0, 0)),
            pl.BlockSpec((RU, 1), lambda i: (0, 0)),
            pl.BlockSpec((1, 1), lambda i: (0, 0)),
        ],
        out_specs=pl.BlockSpec((_RB, 1), lambda i: (i, 0)),
        out_shape=jax.ShapeDtypeStruct((NP, 1), jnp.float32),
    )(path_state, W1, b1[None, :], W2, b2[None, :], W3, b3[None, :])


def kernel(links, paths, sequences, link_capacity, bandwith,
           path_Wx, path_Wh, path_bx, path_bh,
           link_Wx, link_Wh, link_bx, link_bh,
           W1, b1, W2, b2, W3, b3):
    f32 = jnp.float32
    i32 = jnp.int32
    npad = EPAD - E
    links_p = jnp.concatenate([links.astype(i32), jnp.full((npad,), NL, i32)])
    paths_p = jnp.concatenate([paths.astype(i32), jnp.full((npad,), NP, i32)])
    seq_p = jnp.concatenate([sequences.astype(i32), jnp.zeros((npad,), i32)])
    zeros640 = jnp.zeros((640, 32), f32)
    zeros16 = jnp.zeros((640, 16), f32)
    ones16 = jnp.ones((128, 16), f32)

    lstate = jnp.concatenate(
        [link_capacity[:, None], jnp.zeros((NL, L - 1), f32)], axis=1)
    lstate = jnp.concatenate([lstate, jnp.zeros((NLP - NL, L), f32)], axis=0)
    pstate = jnp.concatenate(
        [bandwith[:, None], jnp.zeros((NP, P - 1), f32)], axis=1)

    counts = _sc_hist(paths_p, zeros16, ones16)
    bnd = _tc_bnd(counts.reshape(2, NPH // 8, 128), seq_p.reshape(EPAD // 128, 128))
    mask = _tc_mask(counts, bnd)

    pbx = path_bx[None, :]
    pbh = path_bh[None, :]
    lbx = link_bx[None, :]
    lbh = link_bh[None, :]

    for _ in range(T):
        xs = _sc_build(lstate, links_p, paths_p, seq_p, bnd, zeros640)
        outs, pstate = _tc_gru(xs.reshape(MS, NP, 32), mask, pstate,
                               path_Wx, path_Wh, pbx, pbh)
        agg2 = _sc_agg(outs.reshape(MS * NP, 32), links_p, paths_p, seq_p,
                       zeros640)
        lstate = _tc_link(agg2, lstate, link_Wx, link_Wh, lbx, lbh)

    return _readout(pstate, W1, b1, W2, b2, W3, b3)

# --- scband reference (transcript-rebuilt; emitter-appended) ---
"""Pipeline reference for scband-route-net-model-20083267076299 (READ-ONLY COPY).

The authoritative reference and input builder live on the scoring server;
editing this copy changes nothing except your own understanding.
"""

import jax, jax.numpy as jnp
import numpy as np

N_LINKS = 10000
N_PATHS = 50000
E = 800000
L = 32   # link_state_dim
P = 32   # path_state_dim
RU = 256 # readout_units
T = 4    # message passing iterations
MAXSEQ = 16


def _gru(x, h, Wx, Wh, bx, bh):
    H = h.shape[-1]
    xs = x @ Wx + bx
    hs = h @ Wh + bh
    z = jax.nn.sigmoid(xs[..., :H] + hs[..., :H])
    r = jax.nn.sigmoid(xs[..., H:2 * H] + hs[..., H:2 * H])
    hh = jnp.tanh(xs[..., 2 * H:] + r * hs[..., 2 * H:])
    return z * h + (1.0 - z) * hh


def setup_inputs(seed: int = 0) -> dict:
    key = jax.random.key(seed)
    ks = jax.random.split(key, 24)
    s = 0.05
    inp = {}
    inp["links"] = jax.random.randint(ks[0], (E,), 0, N_LINKS)
    inp["paths"] = jnp.sort(jax.random.randint(ks[1], (E,), 0, N_PATHS))
    inp["sequences"] = jax.random.randint(ks[2], (E,), 0, MAXSEQ)
    inp["link_capacity"] = jax.random.uniform(ks[3], (N_LINKS,), dtype=jnp.float32)
    inp["bandwith"] = jax.random.uniform(ks[4], (N_PATHS,), dtype=jnp.float32)
    inp["path_Wx"] = jax.random.normal(ks[5], (L, 3 * P), dtype=jnp.float32) * s
    inp["path_Wh"] = jax.random.normal(ks[6], (P, 3 * P), dtype=jnp.float32) * s
    inp["path_bx"] = jnp.zeros((3 * P,), jnp.float32)
    inp["path_bh"] = jnp.zeros((3 * P,), jnp.float32)
    inp["link_Wx"] = jax.random.normal(ks[7], (P, 3 * L), dtype=jnp.float32) * s
    inp["link_Wh"] = jax.random.normal(ks[8], (L, 3 * L), dtype=jnp.float32) * s
    inp["link_bx"] = jnp.zeros((3 * L,), jnp.float32)
    inp["link_bh"] = jnp.zeros((3 * L,), jnp.float32)
    inp["W1"] = jax.random.normal(ks[9], (P, RU), dtype=jnp.float32) * s
    inp["b1"] = jnp.zeros((RU,), jnp.float32)
    inp["W2"] = jax.random.normal(ks[10], (RU, RU), dtype=jnp.float32) * s
    inp["b2"] = jnp.zeros((RU,), jnp.float32)
    inp["W3"] = jax.random.normal(ks[11], (RU, 1), dtype=jnp.float32) * s
    inp["b3"] = jnp.zeros((1,), jnp.float32)
    return inp


def reference(links, paths, sequences, link_capacity, bandwith,
              path_Wx, path_Wh, path_bx, path_bh,
              link_Wx, link_Wh, link_bx, link_bh,
              W1, b1, W2, b2, W3, b3):
    max_len = jnp.max(sequences) + 1
    lens = jax.ops.segment_sum(jnp.ones_like(paths), paths, num_segments=N_PATHS)
    seq_idx = jnp.arange(MAXSEQ)
    mask = (seq_idx[None, :] < lens[:, None]) & (seq_idx[None, :] < max_len)
    link_state = jnp.concatenate(
        [link_capacity[:, None], jnp.zeros((N_LINKS, L - 1), jnp.float32)], axis=1)
    path_state = jnp.concatenate(
        [bandwith[:, None], jnp.zeros((N_PATHS, P - 1), jnp.float32)], axis=1)

    def step(h, xm):
        x_t, m_t = xm
        h_new = _gru(x_t, h, path_Wx, path_Wh, path_bx, path_bh)
        h_out = jnp.where(m_t[:, None], h_new, h)
        return h_out, h_out

    for _ in range(T):
        h_tild = link_state[links]                               # gather [E, L]
        link_inputs = jnp.zeros((N_PATHS, MAXSEQ, L), jnp.float32)
        link_inputs = link_inputs.at[paths, sequences].add(h_tild)  # scatter_nd
        xs = jnp.swapaxes(link_inputs, 0, 1)                     # [MAXSEQ, n_paths, L]
        ms = jnp.swapaxes(mask, 0, 1)
        path_state, outs = jax.lax.scan(step, path_state, (xs, ms))
        outs = jnp.swapaxes(outs, 0, 1)                          # [n_paths, MAXSEQ, P]
        m = outs[paths, sequences]                               # gather_nd [E, P]
        agg = jax.ops.segment_sum(m, links, num_segments=N_LINKS)  # unsorted_segment_sum
        link_state = _gru(agg, link_state, link_Wx, link_Wh, link_bx, link_bh)

    r = jax.nn.selu(path_state @ W1 + b1)
    r = jax.nn.relu(r @ W2 + b2)
    r = r @ W3 + b3
    return r

if __name__ == "__main__":
    import jax
    _d = setup_inputs()
    print(jax.jit(kernel)(*tuple(_d.values())))

</pallas_src>

<mosaic_0001>
#map = affine_map<(d0, d1) -> (0)>
#map1 = affine_map<(d0, d1) -> (0, 0)>
#map2 = affine_map<(d0, d1) -> (0, 0, 0)>
module attributes {stable_mosaic.version = 14 : i64} {
  func.func @_hist_body(%arg0: i32, %arg1: i32, %arg2: memref<819200xi32, #tpu.memory_space<hbm>>, %arg3: memref<640x16xf32, #tpu.memory_space<hbm>>, %arg4: memref<128x16xf32, #tpu.memory_space<hbm>>, %arg5: memref<2x51200x16xf32, #tpu.memory_space<hbm>>, %arg6: memref<128xi32, #tpu.memory_space<vmem>>, %arg7: memref<128xi32, #tpu.memory_space<vmem>>, %arg8: memref<128x16xf32, #tpu.memory_space<vmem>>, %arg9: memref<640x16xf32, #tpu.memory_space<vmem>>, %arg10: memref<1600x16xf32, #tpu.memory_space<vmem>>, %arg11: memref<25728x16xf32, #tpu.memory_space<vmem_shared>>, %arg12: memref<!tpu.dma_semaphore, #tpu.memory_space<semaphore_mem>>) attributes {dimension_semantics = [#tpu.dimension_semantics<core_parallel>, #tpu.dimension_semantics<subcore_parallel>], iteration_bounds = array<i64: 2, 16>, scalar_prefetch = 0 : i64, scratch_operands = 7 : i64, tpu.core_type = #tpu.core_type<sc_vector_subcore>, window_params = [{transform_indices = #map}, {transform_indices = #map1}, {transform_indices = #map1}, {transform_indices = #map2}]} {
    %mul3A = arith.constant 16 : i32
    %mul3A_0 = arith.muli %arg0, %mul3A : i32
    %add3A = arith.addi %mul3A_0, %arg1 : i32
    "tpu.region"() ({
      %run_scoped3A = tpu.sem_alloc : memref<!tpu.dma_semaphore, #tpu.memory_space<semaphore_mem>>
      tpu.enqueue_dma source(%arg3 : memref<640x16xf32, #tpu.memory_space<hbm>>) target(%arg9 : memref<640x16xf32, #tpu.memory_space<vmem>>) target_semaphore(%run_scoped3A : memref<!tpu.dma_semaphore, #tpu.memory_space<semaphore_mem>>)
      tpu.wait_dma2 semaphore(%run_scoped3A : memref<!tpu.dma_semaphore, #tpu.memory_space<semaphore_mem>>) src(%arg3 : memref<640x16xf32, #tpu.memory_space<hbm>>) dst(%arg9 : memref<640x16xf32, #tpu.memory_space<vmem>>)
      tpu.yield
    }) : () -> ()
    "tpu.region"() ({
      %run_scoped3A = tpu.sem_alloc : memref<!tpu.dma_semaphore, #tpu.memory_space<semaphore_mem>>
      tpu.enqueue_dma source(%arg4 : memref<128x16xf32, #tpu.memory_space<hbm>>) target(%arg8 : memref<128x16xf32, #tpu.memory_space<vmem>>) target_semaphore(%run_scoped3A : memref<!tpu.dma_semaphore, #tpu.memory_space<semaphore_mem>>)
      tpu.wait_dma2 semaphore(%run_scoped3A : memref<!tpu.dma_semaphore, #tpu.memory_space<semaphore_mem>>) src(%arg4 : memref<128x16xf32, #tpu.memory_space<hbm>>) dst(%arg8 : memref<128x16xf32, #tpu.memory_space<vmem>>)
      tpu.yield
    }) : () -> ()
    %mul3A_1 = arith.constant 25600 : i32
    %mul3A_2 = arith.muli %add3A, %mul3A_1 : i32
    %mul3A_3 = arith.constant 1608 : i32
    %mul3A_4 = arith.muli %arg1, %mul3A_3 : i32
    %add3A_5 = arith.constant 0 : i32
    %add3A_6 = arith.addi %mul3A_4, %add3A_5 : i32
    "tpu.region"() ({
      %run_scoped3A = tpu.sem_alloc : memref<!tpu.dma_semaphore, #tpu.memory_space<semaphore_mem>>
      %dma_start3A = arith.constant 0 : i32
      %dma_start3A_53 = arith.constant 0 : i32
      %dma_start3A_54 = tpu.memref_slice %arg9[%dma_start3A, %dma_start3A_53] : memref<640x16xf32, #tpu.memory_space<vmem>> -> memref<640x16xf32, #tpu.memory_space<vmem>>
      %dma_start3A_55 = arith.constant 0 : i32
      %dma_start3A_56 = tpu.memref_slice %arg11[%add3A_6, %dma_start3A_55] : memref<25728x16xf32, #tpu.memory_space<vmem_shared>> -> memref<640x16xf32, #tpu.memory_space<vmem_shared>>
      %dma_start3A_57 = arith.constant 0 : i32
      %dma_start3A_58 = tpu.memref_slice %arg11[%add3A_6, %dma_start3A_57] : memref<25728x16xf32, #tpu.memory_space<vmem_shared>> -> memref<640x16xf32, #tpu.memory_space<vmem_shared>>
      %dma_start3A_59 = arith.constant 0 : i32
      %dma_start3A_60 = arith.constant 0 : i32
      %dma_start3A_61 = tpu.memref_slice %arg9[%dma_start3A_59, %dma_start3A_60] : memref<640x16xf32, #tpu.memory_space<vmem>> -> memref<640x16xf32, #tpu.memory_space<vmem>>
      tpu.enqueue_dma source(%dma_start3A_61 : memref<640x16xf32, #tpu.memory_space<vmem>>) target(%dma_start3A_58 : memref<640x16xf32, #tpu.memory_space<vmem_shared>>) target_semaphore(%run_scoped3A : memref<!tpu.dma_semaphore, #tpu.memory_space<semaphore_mem>>)
      %dma_wait3A = arith.constant 0 : i32
      %dma_wait3A_62 = arith.constant 0 : i32
      %dma_wait3A_63 = tpu.memref_slice %arg9[%dma_wait3A, %dma_wait3A_62] : memref<640x16xf32, #tpu.memory_space<vmem>> -> memref<640x16xf32, #tpu.memory_space<vmem>>
      %dma_wait3A_64 = arith.constant 0 : i32
      %dma_wait3A_65 = tpu.memref_slice %arg11[%add3A_6, %dma_wait3A_64] : memref<25728x16xf32, #tpu.memory_space<vmem_shared>> -> memref<640x16xf32, #tpu.memory_space<vmem_shared>>
      %dma_wait3A_66 = arith.constant 0 : i32
      %dma_wait3A_67 = tpu.memref_slice %arg11[%add3A_6, %dma_wait3A_66] : memref<25728x16xf32, #tpu.memory_space<vmem_shared>> -> memref<640x16xf32, #tpu.memory_space<vmem_shared>>
      %dma_wait3A_68 = arith.constant 0 : i32
      %dma_wait3A_69 = arith.constant 0 : i32
      %dma_wait3A_70 = tpu.memref_slice %arg9[%dma_wait3A_68, %dma_wait3A_69] : memref<640x16xf32, #tpu.memory_space<vmem>> -> memref<640x16xf32, #tpu.memory_space<vmem>>
      tpu.wait_dma2 semaphore(%run_scoped3A : memref<!tpu.dma_semaphore, #tpu.memory_space<semaphore_mem>>) src(%dma_wait3A_70 : memref<640x16xf32, #tpu.memory_space<vmem>>) dst(%dma_wait3A_67 : memref<640x16xf32, #tpu.memory_space<vmem_shared>>)
      tpu.yield
    }) : () -> ()
    %mul3A_7 = arith.constant 1608 : i32
    %mul3A_8 = arith.muli %arg1, %mul3A_7 : i32
    %add3A_9 = arith.constant 640 : i32
    %add3A_10 = arith.addi %mul3A_8, %add3A_9 : i32
    "tpu.region"() ({
      %run_scoped3A = tpu.sem_alloc : memref<!tpu.dma_semaphore, #tpu.memory_space<semaphore_mem>>
      %dma_start3A = arith.constant 0 : i32
      %dma_start3A_53 = arith.constant 0 : i32
      %dma_start3A_54 = tpu.memref_slice %arg9[%dma_start3A, %dma_start3A_53] : memref<640x16xf32, #tpu.memory_space<vmem>> -> memref<640x16xf32, #tpu.memory_space<vmem>>
      %dma_start3A_55 = arith.constant 0 : i32
      %dma_start3A_56 = tpu.memref_slice %arg11[%add3A_10, %dma_start3A_55] : memref<25728x16xf32, #tpu.memory_space<vmem_shared>> -> memref<640x16xf32, #tpu.memory_space<vmem_shared>>
      %dma_start3A_57 = arith.constant 0 : i32
      %dma_start3A_58 = tpu.memref_slice %arg11[%add3A_10, %dma_start3A_57] : memref<25728x16xf32, #tpu.memory_space<vmem_shared>> -> memref<640x16xf32, #tpu.memory_space<vmem_shared>>
      %dma_start3A_59 = arith.constant 0 : i32
      %dma_start3A_60 = arith.constant 0 : i32
      %dma_start3A_61 = tpu.memref_slice %arg9[%dma_start3A_59, %dma_start3A_60] : memref<640x16xf32, #tpu.memory_space<vmem>> -> memref<640x16xf32, #tpu.memory_space<vmem>>
      tpu.enqueue_dma source(%dma_start3A_61 : memref<640x16xf32, #tpu.memory_space<vmem>>) target(%dma_start3A_58 : memref<640x16xf32, #tpu.memory_space<vmem_shared>>) target_semaphore(%run_scoped3A : memref<!tpu.dma_semaphore, #tpu.memory_space<semaphore_mem>>)
      %dma_wait3A = arith.constant 0 : i32
      %dma_wait3A_62 = arith.constant 0 : i32
      %dma_wait3A_63 = tpu.memref_slice %arg9[%dma_wait3A, %dma_wait3A_62] : memref<640x16xf32, #tpu.memory_space<vmem>> -> memref<640x16xf32, #tpu.memory_space<vmem>>
      %dma_wait3A_64 = arith.constant 0 : i32
      %dma_wait3A_65 = tpu.memref_slice %arg11[%add3A_10, %dma_wait3A_64] : memref<25728x16xf32, #tpu.memory_space<vmem_shared>> -> memref<640x16xf32, #tpu.memory_space<vmem_shared>>
      %dma_wait3A_66 = arith.constant 0 : i32
      %dma_wait3A_67 = tpu.memref_slice %arg11[%add3A_10, %dma_wait3A_66] : memref<25728x16xf32, #tpu.memory_space<vmem_shared>> -> memref<640x16xf32, #tpu.memory_space<vmem_shared>>
      %dma_wait3A_68 = arith.constant 0 : i32
      %dma_wait3A_69 = arith.constant 0 : i32
      %dma_wait3A_70 = tpu.memref_slice %arg9[%dma_wait3A_68, %dma_wait3A_69] : memref<640x16xf32, #tpu.memory_space<vmem>> -> memref<640x16xf32, #tpu.memory_space<vmem>>
      tpu.wait_dma2 semaphore(%run_scoped3A : memref<!tpu.dma_semaphore, #tpu.memory_space<semaphore_mem>>) src(%dma_wait3A_70 : memref<640x16xf32, #tpu.memory_space<vmem>>) dst(%dma_wait3A_67 : memref<640x16xf32, #tpu.memory_space<vmem_shared>>)
      tpu.yield
    }) : () -> ()
    %mul3A_11 = arith.constant 1608 : i32
    %mul3A_12 = arith.muli %arg1, %mul3A_11 : i32
    %add3A_13 = arith.constant 1280 : i32
    %add3A_14 = arith.addi %mul3A_12, %add3A_13 : i32
    "tpu.region"() ({
      %run_scoped3A = tpu.sem_alloc : memref<!tpu.dma_semaphore, #tpu.memory_space<semaphore_mem>>
      %dma_start3A = arith.constant 0 : i32
      %dma_start3A_53 = arith.constant 0 : i32
      %dma_start3A_54 = tpu.memref_slice %arg9[%dma_start3A, %dma_start3A_53] : memref<640x16xf32, #tpu.memory_space<vmem>> -> memref<328x16xf32, #tpu.memory_space<vmem>>
      %dma_start3A_55 = arith.constant 0 : i32
      %dma_start3A_56 = tpu.memref_slice %arg11[%add3A_14, %dma_start3A_55] : memref<25728x16xf32, #tpu.memory_space<vmem_shared>> -> memref<328x16xf32, #tpu.memory_space<vmem_shared>>
      %dma_start3A_57 = arith.constant 0 : i32
      %dma_start3A_58 = tpu.memref_slice %arg11[%add3A_14, %dma_start3A_57] : memref<25728x16xf32, #tpu.memory_space<vmem_shared>> -> memref<328x16xf32, #tpu.memory_space<vmem_shared>>
      %dma_start3A_59 = arith.constant 0 : i32
      %dma_start3A_60 = arith.constant 0 : i32
      %dma_start3A_61 = tpu.memref_slice %arg9[%dma_start3A_59, %dma_start3A_60] : memref<640x16xf32, #tpu.memory_space<vmem>> -> memref<328x16xf32, #tpu.memory_space<vmem>>
      tpu.enqueue_dma source(%dma_start3A_61 : memref<328x16xf32, #tpu.memory_space<vmem>>) target(%dma_start3A_58 : memref<328x16xf32, #tpu.memory_space<vmem_shared>>) target_semaphore(%run_scoped3A : memref<!tpu.dma_semaphore, #tpu.memory_space<semaphore_mem>>)
      %dma_wait3A = arith.constant 0 : i32
      %dma_wait3A_62 = arith.constant 0 : i32
      %dma_wait3A_63 = tpu.memref_slice %arg9[%dma_wait3A, %dma_wait3A_62] : memref<640x16xf32, #tpu.memory_space<vmem>> -> memref<328x16xf32, #tpu.memory_space<vmem>>
      %dma_wait3A_64 = arith.constant 0 : i32
      %dma_wait3A_65 = tpu.memref_slice %arg11[%add3A_14, %dma_wait3A_64] : memref<25728x16xf32, #tpu.memory_space<vmem_shared>> -> memref<328x16xf32, #tpu.memory_space<vmem_shared>>
      %dma_wait3A_66 = arith.constant 0 : i32
      %dma_wait3A_67 = tpu.memref_slice %arg11[%add3A_14, %dma_wait3A_66] : memref<25728x16xf32, #tpu.memory_space<vmem_shared>> -> memref<328x16xf32, #tpu.memory_space<vmem_shared>>
      %dma_wait3A_68 = arith.constant 0 : i32
      %dma_wait3A_69 = arith.constant 0 : i32
      %dma_wait3A_70 = tpu.memref_slice %arg9[%dma_wait3A_68, %dma_wait3A_69] : memref<640x16xf32, #tpu.memory_space<vmem>> -> memref<328x16xf32, #tpu.memory_space<vmem>>
      tpu.wait_dma2 semaphore(%run_scoped3A : memref<!tpu.dma_semaphore, #tpu.memory_space<semaphore_mem>>) src(%dma_wait3A_70 : memref<328x16xf32, #tpu.memory_space<vmem>>) dst(%dma_wait3A_67 : memref<328x16xf32, #tpu.memory_space<vmem_shared>>)
      tpu.yield
    }) : () -> ()
    %barrier3A = arith.constant 0 : index
    tpu.barrier barrier_id(%barrier3A)
    %scan3A = arith.constant 0 : i32
    %scan3A_15 = arith.constant 200 : i32
    %scan3A_16 = arith.addi %scan3A, %scan3A_15 : i32
    %scan3A_17 = arith.constant 1 : i32
    scf.for %scan3A_53 = %scan3A to %scan3A_16 step %scan3A_17  : i32 {
      %mul3A_54 = arith.constant 1 : i32
      %mul3A_55 = arith.muli %scan3A_53, %mul3A_54 : i32
      %add3A_56 = arith.constant 0 : i32
      %add3A_57 = arith.addi %add3A_56, %mul3A_55 : i32
      %mul3A_58 = arith.constant 128 : i32
      %mul3A_59 = arith.muli %add3A_57, %mul3A_58 : i32
      %add3A_60 = arith.addi %mul3A_2, %mul3A_59 : i32
      "tpu.region"() ({
        %run_scoped3A = tpu.sem_alloc : memref<!tpu.dma_semaphore, #tpu.memory_space<semaphore_mem>>
        %dma_start3A = tpu.memref_slice %arg2[%add3A_60] : memref<819200xi32, #tpu.memory_space<hbm>> -> memref<128xi32, #tpu.memory_space<hbm>>
        %dma_start3A_212 = tpu.memref_slice %arg2[%add3A_60] : memref<819200xi32, #tpu.memory_space<hbm>> -> memref<128xi32, #tpu.memory_space<hbm>>
        tpu.enqueue_dma source(%dma_start3A_212 : memref<128xi32, #tpu.memory_space<hbm>>) target(%arg6 : memref<128xi32, #tpu.memory_space<vmem>>) target_semaphore(%run_scoped3A : memref<!tpu.dma_semaphore, #tpu.memory_space<semaphore_mem>>)
        %dma_wait3A = tpu.memref_slice %arg2[%add3A_60] : memref<819200xi32, #tpu.memory_space<hbm>> -> memref<128xi32, #tpu.memory_space<hbm>>
        %dma_wait3A_213 = tpu.memref_slice %arg2[%add3A_60] : memref<819200xi32, #tpu.memory_space<hbm>> -> memref<128xi32, #tpu.memory_space<hbm>>
        tpu.wait_dma2 semaphore(%run_scoped3A : memref<!tpu.dma_semaphore, #tpu.memory_space<semaphore_mem>>) src(%dma_wait3A_213 : memref<128xi32, #tpu.memory_space<hbm>>) dst(%arg6 : memref<128xi32, #tpu.memory_space<vmem>>)
        tpu.yield
      }) : () -> ()
      %get3A = arith.constant 0 : index
      %get3A_61 = tpu.vector_load %arg6[%get3A] {strides = array<i32>} : memref<128xi32, #tpu.memory_space<vmem>>, vector<16xi32>,
      %get3A_62 = vector.shape_cast %get3A_61 : vector<16xi32> to vector<16xi32>
      %ge3A = arith.constant 0 : i32
      %ge3A_63 = vector.broadcast %ge3A : i32 to vector<16xi32>
      %ge3A_64 = arith.cmpi sge, %get3A_62, %ge3A_63 : vector<16xi32>
      %lt3A = arith.constant 25600 : i32
      %lt3A_65 = vector.broadcast %lt3A : i32 to vector<16xi32>
      %lt3A_66 = arith.cmpi slt, %get3A_62, %lt3A_65 : vector<16xi32>
      %and3A = arith.andi %ge3A_64, %lt3A_66 : vector<16xi1>
      %sub3A = arith.constant 0 : i32
      %sub3A_67 = vector.broadcast %sub3A : i32 to vector<16xi32>
      %sub3A_68 = arith.subi %get3A_62, %sub3A_67 : vector<16xi32>
      %jit3A = arith.constant 25600 : i32
      %broadcast_in_dim3A = vector.broadcast %jit3A : i32 to vector<16xi32>
      %select_n3A = arith.select %and3A, %sub3A_68, %broadcast_in_dim3A : vector<16xi1>, vector<16xi32>
      %swap3A = arith.constant 0 : index
      %swap3A_69 = tpu.vector_load %arg7[%swap3A] {strides = array<i32>} : memref<128xi32, #tpu.memory_space<vmem>>, vector<16xi32>,
      %swap3A_70 = vector.shape_cast %swap3A_69 : vector<16xi32> to vector<16xi32>
      %swap3A_71 = vector.shape_cast %select_n3A : vector<16xi32> to vector<16xi32>
      tpu.vector_store %arg7[%swap3A], %swap3A_71 {strides = array<i32>} : memref<128xi32, #tpu.memory_space<vmem>>, vector<16xi32>,
      %get3A_72 = arith.constant 16 : index
      %get3A_73 = tpu.vector_load %arg6[%get3A_72] {strides = array<i32>} : memref<128xi32, #tpu.memory_space<vmem>>, vector<16xi32>,
      %get3A_74 = vector.shape_cast %get3A_73 : vector<16xi32> to vector<16xi32>
      %ge3A_75 = arith.constant 0 : i32
      %ge3A_76 = vector.broadcast %ge3A_75 : i32 to vector<16xi32>
      %ge3A_77 = arith.cmpi sge, %get3A_74, %ge3A_76 : vector<16xi32>
      %lt3A_78 = arith.constant 25600 : i32
      %lt3A_79 = vector.broadcast %lt3A_78 : i32 to vector<16xi32>
      %lt3A_80 = arith.cmpi slt, %get3A_74, %lt3A_79 : vector<16xi32>
      %and3A_81 = arith.andi %ge3A_77, %lt3A_80 : vector<16xi1>
      %sub3A_82 = arith.constant 0 : i32
      %sub3A_83 = vector.broadcast %sub3A_82 : i32 to vector<16xi32>
      %sub3A_84 = arith.subi %get3A_74, %sub3A_83 : vector<16xi32>
      %jit3A_85 = arith.constant 25600 : i32
      %broadcast_in_dim3A_86 = vector.broadcast %jit3A_85 : i32 to vector<16xi32>
      %select_n3A_87 = arith.select %and3A_81, %sub3A_84, %broadcast_in_dim3A_86 : vector<16xi1>, vector<16xi32>
      %swap3A_88 = arith.constant 16 : index
      %swap3A_89 = tpu.vector_load %arg7[%swap3A_88] {strides = array<i32>} : memref<128xi32, #tpu.memory_space<vmem>>, vector<16xi32>,
      %swap3A_90 = vector.shape_cast %swap3A_89 : vector<16xi32> to vector<16xi32>
      %swap3A_91 = vector.shape_cast %select_n3A_87 : vector<16xi32> to vector<16xi32>
      tpu.vector_store %arg7[%swap3A_88], %swap3A_91 {strides = array<i32>} : memref<128xi32, #tpu.memory_space<vmem>>, vector<16xi32>,
      %get3A_92 = arith.constant 32 : index
      %get3A_93 = tpu.vector_load %arg6[%get3A_92] {strides = array<i32>} : memref<128xi32, #tpu.memory_space<vmem>>, vector<16xi32>,
      %get3A_94 = vector.shape_cast %get3A_93 : vector<16xi32> to vector<16xi32>
      %ge3A_95 = arith.constant 0 : i32
      %ge3A_96 = vector.broadcast %ge3A_95 : i32 to vector<16xi32>
      %ge3A_97 = arith.cmpi sge, %get3A_94, %ge3A_96 : vector<16xi32>
      %lt3A_98 = arith.constant 25600 : i32
      %lt3A_99 = vector.broadcast %lt3A_98 : i32 to vector<16xi32>
      %lt3A_100 = arith.cmpi slt, %get3A_94, %lt3A_99 : vector<16xi32>
      %and3A_101 = arith.andi %ge3A_97, %lt3A_100 : vector<16xi1>
      %sub3A_102 = arith.constant 0 : i32
      %sub3A_103 = vector.broadcast %sub3A_102 : i32 to vector<16xi32>
      %sub3A_104 = arith.subi %get3A_94, %sub3A_103 : vector<16xi32>
      %jit3A_105 = arith.constant 25600 : i32
      %broadcast_in_dim3A_106 = vector.broadcast %jit3A_105 : i32 to vector<16xi32>
      %select_n3A_107 = arith.select %and3A_101, %sub3A_104, %broadcast_in_dim3A_106 : vector<16xi1>, vector<16xi32>
      %swap3A_108 = arith.constant 32 : index
      %swap3A_109 = tpu.vector_load %arg7[%swap3A_108] {strides = array<i32>} : memref<128xi32, #tpu.memory_space<vmem>>, vector<16xi32>,
      %swap3A_110 = vector.shape_cast %swap3A_109 : vector<16xi32> to vector<16xi32>
      %swap3A_111 = vector.shape_cast %select_n3A_107 : vector<16xi32> to vector<16xi32>
      tpu.vector_store %arg7[%swap3A_108], %swap3A_111 {strides = array<i32>} : memref<128xi32, #tpu.memory_space<vmem>>, vector<16xi32>,
      %get3A_112 = arith.constant 48 : index
      %get3A_113 = tpu.vector_load %arg6[%get3A_112] {strides = array<i32>} : memref<128xi32, #tpu.memory_space<vmem>>, vector<16xi32>,
      %get3A_114 = vector.shape_cast %get3A_113 : vector<16xi32> to vector<16xi32>
      %ge3A_115 = arith.constant 0 : i32
      %ge3A_116 = vector.broadcast %ge3A_115 : i32 to vector<16xi32>
      %ge3A_117 = arith.cmpi sge, %get3A_114, %ge3A_116 : vector<16xi32>
      %lt3A_118 = arith.constant 25600 : i32
      %lt3A_119 = vector.broadcast %lt3A_118 : i32 to vector<16xi32>
      %lt3A_120 = arith.cmpi slt, %get3A_114, %lt3A_119 : vector<16xi32>
      %and3A_121 = arith.andi %ge3A_117, %lt3A_120 : vector<16xi1>
      %sub3A_122 = arith.constant 0 : i32
      %sub3A_123 = vector.broadcast %sub3A_122 : i32 to vector<16xi32>
      %sub3A_124 = arith.subi %get3A_114, %sub3A_123 : vector<16xi32>
      %jit3A_125 = arith.constant 25600 : i32
      %broadcast_in_dim3A_126 = vector.broadcast %jit3A_125 : i32 to vector<16xi32>
      %select_n3A_127 = arith.select %and3A_121, %sub3A_124, %broadcast_in_dim3A_126 : vector<16xi1>, vector<16xi32>
      %swap3A_128 = arith.constant 48 : index
      %swap3A_129 = tpu.vector_load %arg7[%swap3A_128] {strides = array<i32>} : memref<128xi32, #tpu.memory_space<vmem>>, vector<16xi32>,
      %swap3A_130 = vector.shape_cast %swap3A_129 : vector<16xi32> to vector<16xi32>
      %swap3A_131 = vector.shape_cast %select_n3A_127 : vector<16xi32> to vector<16xi32>
      tpu.vector_store %arg7[%swap3A_128], %swap3A_131 {strides = array<i32>} : memref<128xi32, #tpu.memory_space<vmem>>, vector<16xi32>,
      %get3A_132 = arith.constant 64 : index
      %get3A_133 = tpu.vector_load %arg6[%get3A_132] {strides = array<i32>} : memref<128xi32, #tpu.memory_space<vmem>>, vector<16xi32>,
      %get3A_134 = vector.shape_cast %get3A_133 : vector<16xi32> to vector<16xi32>
      %ge3A_135 = arith.constant 0 : i32
      %ge3A_136 = vector.broadcast %ge3A_135 : i32 to vector<16xi32>
      %ge3A_137 = arith.cmpi sge, %get3A_134, %ge3A_136 : vector<16xi32>
      %lt3A_138 = arith.constant 25600 : i32
      %lt3A_139 = vector.broadcast %lt3A_138 : i32 to vector<16xi32>
      %lt3A_140 = arith.cmpi slt, %get3A_134, %lt3A_139 : vector<16xi32>
      %and3A_141 = arith.andi %ge3A_137, %lt3A_140 : vector<16xi1>
      %sub3A_142 = arith.constant 0 : i32
      %sub3A_143 = vector.broadcast %sub3A_142 : i32 to vector<16xi32>
      %sub3A_144 = arith.subi %get3A_134, %sub3A_143 : vector<16xi32>
      %jit3A_145 = arith.constant 25600 : i32
      %broadcast_in_dim3A_146 = vector.broadcast %jit3A_145 : i32 to vector<16xi32>
      %select_n3A_147 = arith.select %and3A_141, %sub3A_144, %broadcast_in_dim3A_146 : vector<16xi1>, vector<16xi32>
      %swap3A_148 = arith.constant 64 : index
      %swap3A_149 = tpu.vector_load %arg7[%swap3A_148] {strides = array<i32>} : memref<128xi32, #tpu.memory_space<vmem>>, vector<16xi32>,
      %swap3A_150 = vector.shape_cast %swap3A_149 : vector<16xi32> to vector<16xi32>
      %swap3A_151 = vector.shape_cast %select_n3A_147 : vector<16xi32> to vector<16xi32>
      tpu.vector_store %arg7[%swap3A_148], %swap3A_151 {strides = array<i32>} : memref<128xi32, #tpu.memory_space<vmem>>, vector<16xi32>,
      %get3A_152 = arith.constant 80 : index
      %get3A_153 = tpu.vector_load %arg6[%get3A_152] {strides = array<i32>} : memref<128xi32, #tpu.memory_space<vmem>>, vector<16xi32>,
      %get3A_154 = vector.shape_cast %get3A_153 : vector<16xi32> to vector<16xi32>
      %ge3A_155 = arith.constant 0 : i32
      %ge3A_156 = vector.broadcast %ge3A_155 : i32 to vector<16xi32>
      %ge3A_157 = arith.cmpi sge, %get3A_154, %ge3A_156 : vector<16xi32>
      %lt3A_158 = arith.constant 25600 : i32
      %lt3A_159 = vector.broadcast %lt3A_158 : i32 to vector<16xi32>
      %lt3A_160 = arith.cmpi slt, %get3A_154, %lt3A_159 : vector<16xi32>
      %and3A_161 = arith.andi %ge3A_157, %lt3A_160 : vector<16xi1>
      %sub3A_162 = arith.constant 0 : i32
      %sub3A_163 = vector.broadcast %sub3A_162 : i32 to vector<16xi32>
      %sub3A_164 = arith.subi %get3A_154, %sub3A_163 : vector<16xi32>
      %jit3A_165 = arith.constant 25600 : i32
      %broadcast_in_dim3A_166 = vector.broadcast %jit3A_165 : i32 to vector<16xi32>
      %select_n3A_167 = arith.select %and3A_161, %sub3A_164, %broadcast_in_dim3A_166 : vector<16xi1>, vector<16xi32>
      %swap3A_168 = arith.constant 80 : index
      %swap3A_169 = tpu.vector_load %arg7[%swap3A_168] {strides = array<i32>} : memref<128xi32, #tpu.memory_space<vmem>>, vector<16xi32>,
      %swap3A_170 = vector.shape_cast %swap3A_169 : vector<16xi32> to vector<16xi32>
      %swap3A_171 = vector.shape_cast %select_n3A_167 : vector<16xi32> to vector<16xi32>
      tpu.vector_store %arg7[%swap3A_168], %swap3A_171 {strides = array<i32>} : memref<128xi32, #tpu.memory_space<vmem>>, vector<16xi32>,
      %get3A_172 = arith.constant 96 : index
      %get3A_173 = tpu.vector_load %arg6[%get3A_172] {strides = array<i32>} : memref<128xi32, #tpu.memory_space<vmem>>, vector<16xi32>,
      %get3A_174 = vector.shape_cast %get3A_173 : vector<16xi32> to vector<16xi32>
      %ge3A_175 = arith.constant 0 : i32
      %ge3A_176 = vector.broadcast %ge3A_175 : i32 to vector<16xi32>
      %ge3A_177 = arith.cmpi sge, %get3A_174, %ge3A_176 : vector<16xi32>
      %lt3A_178 = arith.constant 25600 : i32
      %lt3A_179 = vector.broadcast %lt3A_178 : i32 to vector<16xi32>
      %lt3A_180 = arith.cmpi slt, %get3A_174, %lt3A_179 : vector<16xi32>
      %and3A_181 = arith.andi %ge3A_177, %lt3A_180 : vector<16xi1>
      %sub3A_182 = arith.constant 0 : i32
      %sub3A_183 = vector.broadcast %sub3A_182 : i32 to vector<16xi32>
      %sub3A_184 = arith.subi %get3A_174, %sub3A_183 : vector<16xi32>
      %jit3A_185 = arith.constant 25600 : i32
      %broadcast_in_dim3A_186 = vector.broadcast %jit3A_185 : i32 to vector<16xi32>
      %select_n3A_187 = arith.select %and3A_181, %sub3A_184, %broadcast_in_dim3A_186 : vector<16xi1>, vector<16xi32>
      %swap3A_188 = arith.constant 96 : index
      %swap3A_189 = tpu.vector_load %arg7[%swap3A_188] {strides = array<i32>} : memref<128xi32, #tpu.memory_space<vmem>>, vector<16xi32>,
      %swap3A_190 = vector.shape_cast %swap3A_189 : vector<16xi32> to vector<16xi32>
      %swap3A_191 = vector.shape_cast %select_n3A_187 : vector<16xi32> to vector<16xi32>
      tpu.vector_store %arg7[%swap3A_188], %swap3A_191 {strides = array<i32>} : memref<128xi32, #tpu.memory_space<vmem>>, vector<16xi32>,
      %get3A_192 = arith.constant 112 : index
      %get3A_193 = tpu.vector_load %arg6[%get3A_192] {strides = array<i32>} : memref<128xi32, #tpu.memory_space<vmem>>, vector<16xi32>,
      %get3A_194 = vector.shape_cast %get3A_193 : vector<16xi32> to vector<16xi32>
      %ge3A_195 = arith.constant 0 : i32
      %ge3A_196 = vector.broadcast %ge3A_195 : i32 to vector<16xi32>
      %ge3A_197 = arith.cmpi sge, %get3A_194, %ge3A_196 : vector<16xi32>
      %lt3A_198 = arith.constant 25600 : i32
      %lt3A_199 = vector.broadcast %lt3A_198 : i32 to vector<16xi32>
      %lt3A_200 = arith.cmpi slt, %get3A_194, %lt3A_199 : vector<16xi32>
      %and3A_201 = arith.andi %ge3A_197, %lt3A_200 : vector<16xi1>
      %sub3A_202 = arith.constant 0 : i32
      %sub3A_203 = vector.broadcast %sub3A_202 : i32 to vector<16xi32>
      %sub3A_204 = arith.subi %get3A_194, %sub3A_203 : vector<16xi32>
      %jit3A_205 = arith.constant 25600 : i32
      %broadcast_in_dim3A_206 = vector.broadcast %jit3A_205 : i32 to vector<16xi32>
      %select_n3A_207 = arith.select %and3A_201, %sub3A_204, %broadcast_in_dim3A_206 : vector<16xi1>, vector<16xi32>
      %swap3A_208 = arith.constant 112 : index
      %swap3A_209 = tpu.vector_load %arg7[%swap3A_208] {strides = array<i32>} : memref<128xi32, #tpu.memory_space<vmem>>, vector<16xi32>,
      %swap3A_210 = vector.shape_cast %swap3A_209 : vector<16xi32> to vector<16xi32>
      %swap3A_211 = vector.shape_cast %select_n3A_207 : vector<16xi32> to vector<16xi32>
      tpu.vector_store %arg7[%swap3A_208], %swap3A_211 {strides = array<i32>} : memref<128xi32, #tpu.memory_space<vmem>>, vector<16xi32>,
      "tpu.region"() ({
        %run_scoped3A = tpu.sem_alloc : memref<!tpu.dma_semaphore, #tpu.memory_space<semaphore_mem>>
        %dma_start3A = arith.constant 0 : i32
        %dma_start3A_212 = arith.constant 0 : i32
        %dma_start3A_213 = tpu.memref_slice %arg11[%dma_start3A, %dma_start3A_212] : memref<25728x16xf32, #tpu.memory_space<vmem_shared>> -> memref<25728x16xf32, #tpu.memory_space<vmem_shared>>
        tpu.enqueue_indirect_dma source(%arg8 : memref<128x16xf32, #tpu.memory_space<vmem>>) target(%dma_start3A_213 : memref<25728x16xf32, #tpu.memory_space<vmem_shared>>) offsets(%arg7 : memref<128xi32, #tpu.memory_space<vmem>>) semaphore(%run_scoped3A : memref<!tpu.dma_semaphore, #tpu.memory_space<semaphore_mem>>) {add = true}
        %dma_wait3A = arith.constant 0 : i32
        %dma_wait3A_214 = arith.constant 0 : i32
        %dma_wait3A_215 = tpu.memref_slice %arg11[%dma_wait3A, %dma_wait3A_214] : memref<25728x16xf32, #tpu.memory_space<vmem_shared>> -> memref<25728x16xf32, #tpu.memory_space<vmem_shared>>
        tpu.wait_indirect_dma semaphore(%run_scoped3A : memref<!tpu.dma_semaphore, #tpu.memory_space<semaphore_mem>>) src(%arg8 : memref<128x16xf32, #tpu.memory_space<vmem>>) dst(%dma_wait3A_215 : memref<25728x16xf32, #tpu.memory_space<vmem_shared>>)
        tpu.yield
      }) : () -> ()
    }
    %scan3A_18 = arith.constant 200 : i32
    %barrier3A_19 = arith.constant 0 : index
    tpu.barrier barrier_id(%barrier3A_19)
    %mul3A_20 = arith.constant 1600 : i32
    %mul3A_21 = arith.muli %arg1, %mul3A_20 : i32
    "tpu.region"() ({
      %run_scoped3A = tpu.sem_alloc : memref<!tpu.dma_semaphore, #tpu.memory_space<semaphore_mem>>
      %dma_start3A = arith.constant 0 : i32
      %dma_start3A_53 = tpu.memref_slice %arg11[%mul3A_21, %dma_start3A] : memref<25728x16xf32, #tpu.memory_space<vmem_shared>> -> memref<1600x16xf32, #tpu.memory_space<vmem_shared>>
      %dma_start3A_54 = arith.constant 0 : i32
      %dma_start3A_55 = tpu.memref_slice %arg11[%mul3A_21, %dma_start3A_54] : memref<25728x16xf32, #tpu.memory_space<vmem_shared>> -> memref<1600x16xf32, #tpu.memory_space<vmem_shared>>
      tpu.enqueue_dma source(%dma_start3A_55 : memref<1600x16xf32, #tpu.memory_space<vmem_shared>>) target(%arg10 : memref<1600x16xf32, #tpu.memory_space<vmem>>) target_semaphore(%run_scoped3A : memref<!tpu.dma_semaphore, #tpu.memory_space<semaphore_mem>>)
      %dma_wait3A = arith.constant 0 : i32
      %dma_wait3A_56 = tpu.memref_slice %arg11[%mul3A_21, %dma_wait3A] : memref<25728x16xf32, #tpu.memory_space<vmem_shared>> -> memref<1600x16xf32, #tpu.memory_space<vmem_shared>>
      %dma_wait3A_57 = arith.constant 0 : i32
      %dma_wait3A_58 = tpu.memref_slice %arg11[%mul3A_21, %dma_wait3A_57] : memref<25728x16xf32, #tpu.memory_space<vmem_shared>> -> memref<1600x16xf32, #tpu.memory_space<vmem_shared>>
      tpu.wait_dma2 semaphore(%run_scoped3A : memref<!tpu.dma_semaphore, #tpu.memory_space<semaphore_mem>>) src(%dma_wait3A_58 : memref<1600x16xf32, #tpu.memory_space<vmem_shared>>) dst(%arg10 : memref<1600x16xf32, #tpu.memory_space<vmem>>)
      tpu.yield
    }) : () -> ()
    %mul3A_22 = arith.constant 1600 : i32
    %mul3A_23 = arith.muli %arg1, %mul3A_22 : i32
    %add3A_24 = arith.constant 0 : i32
    %add3A_25 = arith.addi %add3A_24, %mul3A_23 : i32
    "tpu.region"() ({
      %run_scoped3A = tpu.sem_alloc : memref<!tpu.dma_semaphore, #tpu.memory_space<semaphore_mem>>
      %dma_start3A = arith.constant 0 : i32
      %dma_start3A_53 = tpu.memref_slice %arg5[%arg0, %add3A_25, %dma_start3A] : memref<2x51200x16xf32, #tpu.memory_space<hbm>> -> memref<1x1600x16xf32, #tpu.memory_space<hbm>>
      %dma_start3A_54 = tpu.memref_squeeze %dma_start3A_53 : memref<1x1600x16xf32, #tpu.memory_space<hbm>> -> memref<1600x16xf32, #tpu.memory_space<hbm>>
      %dma_start3A_55 = arith.constant 0 : i32
      %dma_start3A_56 = tpu.memref_slice %arg5[%arg0, %add3A_25, %dma_start3A_55] : memref<2x51200x16xf32, #tpu.memory_space<hbm>> -> memref<1x1600x16xf32, #tpu.memory_space<hbm>>
      %dma_start3A_57 = tpu.memref_squeeze %dma_start3A_56 : memref<1x1600x16xf32, #tpu.memory_space<hbm>> -> memref<1600x16xf32, #tpu.memory_space<hbm>>
      tpu.enqueue_dma source(%arg10 : memref<1600x16xf32, #tpu.memory_space<vmem>>) target(%dma_start3A_57 : memref<1600x16xf32, #tpu.memory_space<hbm>>) target_semaphore(%run_scoped3A : memref<!tpu.dma_semaphore, #tpu.memory_space<semaphore_mem>>)
      %dma_wait3A = arith.constant 0 : i32
      %dma_wait3A_58 = tpu.memref_slice %arg5[%arg0, %add3A_25, %dma_wait3A] : memref<2x51200x16xf32, #tpu.memory_space<hbm>> -> memref<1x1600x16xf32, #tpu.memory_space<hbm>>
      %dma_wait3A_59 = tpu.memref_squeeze %dma_wait3A_58 : memref<1x1600x16xf32, #tpu.memory_space<hbm>> -> memref<1600x16xf32, #tpu.memory_space<hbm>>
      %dma_wait3A_60 = arith.constant 0 : i32
      %dma_wait3A_61 = tpu.memref_slice %arg5[%arg0, %add3A_25, %dma_wait3A_60] : memref<2x51200x16xf32, #tpu.memory_space<hbm>> -> memref<1x1600x16xf32, #tpu.memory_space<hbm>>
      %dma_wait3A_62 = tpu.memref_squeeze %dma_wait3A_61 : memref<1x1600x16xf32, #tpu.memory_space<hbm>> -> memref<1600x16xf32, #tpu.memory_space<hbm>>
      tpu.wait_dma2 semaphore(%run_scoped3A : memref<!tpu.dma_semaphore, #tpu.memory_space<semaphore_mem>>) src(%arg10 : memref<1600x16xf32, #tpu.memory_space<vmem>>) dst(%dma_wait3A_62 : memref<1600x16xf32, #tpu.memory_space<hbm>>)
      tpu.yield
    }) : () -> ()
    %barrier3A_26 = arith.constant 0 : index
    tpu.barrier barrier_id(%barrier3A_26)
    %mul3A_27 = arith.constant 1608 : i32
    %mul3A_28 = arith.muli %arg1, %mul3A_27 : i32
    %add3A_29 = arith.constant 0 : i32
    %add3A_30 = arith.addi %mul3A_28, %add3A_29 : i32
    "tpu.region"() ({
      %run_scoped3A = tpu.sem_alloc : memref<!tpu.dma_semaphore, #tpu.memory_space<semaphore_mem>>
      %dma_start3A = arith.constant 0 : i32
      %dma_start3A_53 = arith.constant 0 : i32
      %dma_start3A_54 = tpu.memref_slice %arg9[%dma_start3A, %dma_start3A_53] : memref<640x16xf32, #tpu.memory_space<vmem>> -> memref<640x16xf32, #tpu.memory_space<vmem>>
      %dma_start3A_55 = arith.constant 0 : i32
      %dma_start3A_56 = tpu.memref_slice %arg11[%add3A_30, %dma_start3A_55] : memref<25728x16xf32, #tpu.memory_space<vmem_shared>> -> memref<640x16xf32, #tpu.memory_space<vmem_shared>>
      %dma_start3A_57 = arith.constant 0 : i32
      %dma_start3A_58 = tpu.memref_slice %arg11[%add3A_30, %dma_start3A_57] : memref<25728x16xf32, #tpu.memory_space<vmem_shared>> -> memref<640x16xf32, #tpu.memory_space<vmem_shared>>
      %dma_start3A_59 = arith.constant 0 : i32
      %dma_start3A_60 = arith.constant 0 : i32
      %dma_start3A_61 = tpu.memref_slice %arg9[%dma_start3A_59, %dma_start3A_60] : memref<640x16xf32, #tpu.memory_space<vmem>> -> memref<640x16xf32, #tpu.memory_space<vmem>>
      tpu.enqueue_dma source(%dma_start3A_61 : memref<640x16xf32, #tpu.memory_space<vmem>>) target(%dma_start3A_58 : memref<640x16xf32, #tpu.memory_space<vmem_shared>>) target_semaphore(%run_scoped3A : memref<!tpu.dma_semaphore, #tpu.memory_space<semaphore_mem>>)
      %dma_wait3A = arith.constant 0 : i32
      %dma_wait3A_62 = arith.constant 0 : i32
      %dma_wait3A_63 = tpu.memref_slice %arg9[%dma_wait3A, %dma_wait3A_62] : memref<640x16xf32, #tpu.memory_space<vmem>> -> memref<640x16xf32, #tpu.memory_space<vmem>>
      %dma_wait3A_64 = arith.constant 0 : i32
      %dma_wait3A_65 = tpu.memref_slice %arg11[%add3A_30, %dma_wait3A_64] : memref<25728x16xf32, #tpu.memory_space<vmem_shared>> -> memref<640x16xf32, #tpu.memory_space<vmem_shared>>
      %dma_wait3A_66 = arith.constant 0 : i32
      %dma_wait3A_67 = tpu.memref_slice %arg11[%add3A_30, %dma_wait3A_66] : memref<25728x16xf32, #tpu.memory_space<vmem_shared>> -> memref<640x16xf32, #tpu.memory_space<vmem_shared>>
      %dma_wait3A_68 = arith.constant 0 : i32
      %dma_wait3A_69 = arith.constant 0 : i32
      %dma_wait3A_70 = tpu.memref_slice %arg9[%dma_wait3A_68, %dma_wait3A_69] : memref<640x16xf32, #tpu.memory_space<vmem>> -> memref<640x16xf32, #tpu.memory_space<vmem>>
      tpu.wait_dma2 semaphore(%run_scoped3A : memref<!tpu.dma_semaphore, #tpu.memory_space<semaphore_mem>>) src(%dma_wait3A_70 : memref<640x16xf32, #tpu.memory_space<vmem>>) dst(%dma_wait3A_67 : memref<640x16xf32, #tpu.memory_space<vmem_shared>>)
      tpu.yield
    }) : () -> ()
    %mul3A_31 = arith.constant 1608 : i32
    %mul3A_32 = arith.muli %arg1, %mul3A_31 : i32
    %add3A_33 = arith.constant 640 : i32
    %add3A_34 = arith.addi %mul3A_32, %add3A_33 : i32
    "tpu.region"() ({
      %run_scoped3A = tpu.sem_alloc : memref<!tpu.dma_semaphore, #tpu.memory_space<semaphore_mem>>
      %dma_start3A = arith.constant 0 : i32
      %dma_start3A_53 = arith.constant 0 : i32
      %dma_start3A_54 = tpu.memref_slice %arg9[%dma_start3A, %dma_start3A_53] : memref<640x16xf32, #tpu.memory_space<vmem>> -> memref<640x16xf32, #tpu.memory_space<vmem>>
      %dma_start3A_55 = arith.constant 0 : i32
      %dma_start3A_56 = tpu.memref_slice %arg11[%add3A_34, %dma_start3A_55] : memref<25728x16xf32, #tpu.memory_space<vmem_shared>> -> memref<640x16xf32, #tpu.memory_space<vmem_shared>>
      %dma_start3A_57 = arith.constant 0 : i32
      %dma_start3A_58 = tpu.memref_slice %arg11[%add3A_34, %dma_start3A_57] : memref<25728x16xf32, #tpu.memory_space<vmem_shared>> -> memref<640x16xf32, #tpu.memory_space<vmem_shared>>
      %dma_start3A_59 = arith.constant 0 : i32
      %dma_start3A_60 = arith.constant 0 : i32
      %dma_start3A_61 = tpu.memref_slice %arg9[%dma_start3A_59, %dma_start3A_60] : memref<640x16xf32, #tpu.memory_space<vmem>> -> memref<640x16xf32, #tpu.memory_space<vmem>>
      tpu.enqueue_dma source(%dma_start3A_61 : memref<640x16xf32, #tpu.memory_space<vmem>>) target(%dma_start3A_58 : memref<640x16xf32, #tpu.memory_space<vmem_shared>>) target_semaphore(%run_scoped3A : memref<!tpu.dma_semaphore, #tpu.memory_space<semaphore_mem>>)
      %dma_wait3A = arith.constant 0 : i32
      %dma_wait3A_62 = arith.constant 0 : i32
      %dma_wait3A_63 = tpu.memref_slice %arg9[%dma_wait3A, %dma_wait3A_62] : memref<640x16xf32, #tpu.memory_space<vmem>> -> memref<640x16xf32, #tpu.memory_space<vmem>>
      %dma_wait3A_64 = arith.constant 0 : i32
      %dma_wait3A_65 = tpu.memref_slice %arg11[%add3A_34, %dma_wait3A_64] : memref<25728x16xf32, #tpu.memory_space<vmem_shared>> -> memref<640x16xf32, #tpu.memory_space<vmem_shared>>
      %dma_wait3A_66 = arith.constant 0 : i32
      %dma_wait3A_67 = tpu.memref_slice %arg11[%add3A_34, %dma_wait3A_66] : memref<25728x16xf32, #tpu.memory_space<vmem_shared>> -> memref<640x16xf32, #tpu.memory_space<vmem_shared>>
      %dma_wait3A_68 = arith.constant 0 : i32
      %dma_wait3A_69 = arith.constant 0 : i32
      %dma_wait3A_70 = tpu.memref_slice %arg9[%dma_wait3A_68, %dma_wait3A_69] : memref<640x16xf32, #tpu.memory_space<vmem>> -> memref<640x16xf32, #tpu.memory_space<vmem>>
      tpu.wait_dma2 semaphore(%run_scoped3A : memref<!tpu.dma_semaphore, #tpu.memory_space<semaphore_mem>>) src(%dma_wait3A_70 : memref<640x16xf32, #tpu.memory_space<vmem>>) dst(%dma_wait3A_67 : memref<640x16xf32, #tpu.memory_space<vmem_shared>>)
      tpu.yield
    }) : () -> ()
    %mul3A_35 = arith.constant 1608 : i32
    %mul3A_36 = arith.muli %arg1, %mul3A_35 : i32
    %add3A_37 = arith.constant 1280 : i32
    %add3A_38 = arith.addi %mul3A_36, %add3A_37 : i32
    "tpu.region"() ({
      %run_scoped3A = tpu.sem_alloc : memref<!tpu.dma_semaphore, #tpu.memory_space<semaphore_mem>>
      %dma_start3A = arith.constant 0 : i32
      %dma_start3A_53 = arith.constant 0 : i32
      %dma_start3A_54 = tpu.memref_slice %arg9[%dma_start3A, %dma_start3A_53] : memref<640x16xf32, #tpu.memory_space<vmem>> -> memref<328x16xf32, #tpu.memory_space<vmem>>
      %dma_start3A_55 = arith.constant 0 : i32
      %dma_start3A_56 = tpu.memref_slice %arg11[%add3A_38, %dma_start3A_55] : memref<25728x16xf32, #tpu.memory_space<vmem_shared>> -> memref<328x16xf32, #tpu.memory_space<vmem_shared>>
      %dma_start3A_57 = arith.constant 0 : i32
      %dma_start3A_58 = tpu.memref_slice %arg11[%add3A_38, %dma_start3A_57] : memref<25728x16xf32, #tpu.memory_space<vmem_shared>> -> memref<328x16xf32, #tpu.memory_space<vmem_shared>>
      %dma_start3A_59 = arith.constant 0 : i32
      %dma_start3A_60 = arith.constant 0 : i32
      %dma_start3A_61 = tpu.memref_slice %arg9[%dma_start3A_59, %dma_start3A_60] : memref<640x16xf32, #tpu.memory_space<vmem>> -> memref<328x16xf32, #tpu.memory_space<vmem>>
      tpu.enqueue_dma source(%dma_start3A_61 : memref<328x16xf32, #tpu.memory_space<vmem>>) target(%dma_start3A_58 : memref<328x16xf32, #tpu.memory_space<vmem_shared>>) target_semaphore(%run_scoped3A : memref<!tpu.dma_semaphore, #tpu.memory_space<semaphore_mem>>)
      %dma_wait3A = arith.constant 0 : i32
      %dma_wait3A_62 = arith.constant 0 : i32
      %dma_wait3A_63 = tpu.memref_slice %arg9[%dma_wait3A, %dma_wait3A_62] : memref<640x16xf32, #tpu.memory_space<vmem>> -> memref<328x16xf32, #tpu.memory_space<vmem>>
      %dma_wait3A_64 = arith.constant 0 : i32
      %dma_wait3A_65 = tpu.memref_slice %arg11[%add3A_38, %dma_wait3A_64] : memref<25728x16xf32, #tpu.memory_space<vmem_shared>> -> memref<328x16xf32, #tpu.memory_space<vmem_shared>>
      %dma_wait3A_66 = arith.constant 0 : i32
      %dma_wait3A_67 = tpu.memref_slice %arg11[%add3A_38, %dma_wait3A_66] : memref<25728x16xf32, #tpu.memory_space<vmem_shared>> -> memref<328x16xf32, #tpu.memory_space<vmem_shared>>
      %dma_wait3A_68 = arith.constant 0 : i32
      %dma_wait3A_69 = arith.constant 0 : i32
      %dma_wait3A_70 = tpu.memref_slice %arg9[%dma_wait3A_68, %dma_wait3A_69] : memref<640x16xf32, #tpu.memory_space<vmem>> -> memref<328x16xf32, #tpu.memory_space<vmem>>
      tpu.wait_dma2 semaphore(%run_scoped3A : memref<!tpu.dma_semaphore, #tpu.memory_space<semaphore_mem>>) src(%dma_wait3A_70 : memref<328x16xf32, #tpu.memory_space<vmem>>) dst(%dma_wait3A_67 : memref<328x16xf32, #tpu.memory_space<vmem_shared>>)
      tpu.yield
    }) : () -> ()
    %barrier3A_39 = arith.constant 0 : index
    tpu.barrier barrier_id(%barrier3A_39)
    %scan3A_40 = arith.constant 0 : i32
    %scan3A_41 = arith.constant 200 : i32
    %scan3A_42 = arith.addi %scan3A_40, %scan3A_41 : i32
    %scan3A_43 = arith.constant 1 : i32
    scf.for %scan3A_53 = %scan3A_40 to %scan3A_42 step %scan3A_43  : i32 {
      %mul3A_54 = arith.constant 1 : i32
      %mul3A_55 = arith.muli %scan3A_53, %mul3A_54 : i32
      %add3A_56 = arith.constant 0 : i32
      %add3A_57 = arith.addi %add3A_56, %mul3A_55 : i32
      %mul3A_58 = arith.constant 128 : i32
      %mul3A_59 = arith.muli %add3A_57, %mul3A_58 : i32
      %add3A_60 = arith.addi %mul3A_2, %mul3A_59 : i32
      "tpu.region"() ({
        %run_scoped3A = tpu.sem_alloc : memref<!tpu.dma_semaphore, #tpu.memory_space<semaphore_mem>>
        %dma_start3A = tpu.memref_slice %arg2[%add3A_60] : memref<819200xi32, #tpu.memory_space<hbm>> -> memref<128xi32, #tpu.memory_space<hbm>>
        %dma_start3A_212 = tpu.memref_slice %arg2[%add3A_60] : memref<819200xi32, #tpu.memory_space<hbm>> -> memref<128xi32, #tpu.memory_space<hbm>>
        tpu.enqueue_dma source(%dma_start3A_212 : memref<128xi32, #tpu.memory_space<hbm>>) target(%arg6 : memref<128xi32, #tpu.memory_space<vmem>>) target_semaphore(%run_scoped3A : memref<!tpu.dma_semaphore, #tpu.memory_space<semaphore_mem>>)
        %dma_wait3A = tpu.memref_slice %arg2[%add3A_60] : memref<819200xi32, #tpu.memory_space<hbm>> -> memref<128xi32, #tpu.memory_space<hbm>>
        %dma_wait3A_213 = tpu.memref_slice %arg2[%add3A_60] : memref<819200xi32, #tpu.memory_space<hbm>> -> memref<128xi32, #tpu.memory_space<hbm>>
        tpu.wait_dma2 semaphore(%run_scoped3A : memref<!tpu.dma_semaphore, #tpu.memory_space<semaphore_mem>>) src(%dma_wait3A_213 : memref<128xi32, #tpu.memory_space<hbm>>) dst(%arg6 : memref<128xi32, #tpu.memory_space<vmem>>)
        tpu.yield
      }) : () -> ()
      %get3A = arith.constant 0 : index
      %get3A_61 = tpu.vector_load %arg6[%get3A] {strides = array<i32>} : memref<128xi32, #tpu.memory_space<vmem>>, vector<16xi32>,
      %get3A_62 = vector.shape_cast %get3A_61 : vector<16xi32> to vector<16xi32>
      %ge3A = arith.constant 25600 : i32
      %ge3A_63 = vector.broadcast %ge3A : i32 to vector<16xi32>
      %ge3A_64 = arith.cmpi sge, %get3A_62, %ge3A_63 : vector<16xi32>
      %lt3A = arith.constant 51200 : i32
      %lt3A_65 = vector.broadcast %lt3A : i32 to vector<16xi32>
      %lt3A_66 = arith.cmpi slt, %get3A_62, %lt3A_65 : vector<16xi32>
      %and3A = arith.andi %ge3A_64, %lt3A_66 : vector<16xi1>
      %sub3A = arith.constant 25600 : i32
      %sub3A_67 = vector.broadcast %sub3A : i32 to vector<16xi32>
      %sub3A_68 = arith.subi %get3A_62, %sub3A_67 : vector<16xi32>
      %jit3A = arith.constant 25600 : i32
      %broadcast_in_dim3A = vector.broadcast %jit3A : i32 to vector<16xi32>
      %select_n3A = arith.select %and3A, %sub3A_68, %broadcast_in_dim3A : vector<16xi1>, vector<16xi32>
      %swap3A = arith.constant 0 : index
      %swap3A_69 = tpu.vector_load %arg7[%swap3A] {strides = array<i32>} : memref<128xi32, #tpu.memory_space<vmem>>, vector<16xi32>,
      %swap3A_70 = vector.shape_cast %swap3A_69 : vector<16xi32> to vector<16xi32>
      %swap3A_71 = vector.shape_cast %select_n3A : vector<16xi32> to vector<16xi32>
      tpu.vector_store %arg7[%swap3A], %swap3A_71 {strides = array<i32>} : memref<128xi32, #tpu.memory_space<vmem>>, vector<16xi32>,
      %get3A_72 = arith.constant 16 : index
      %get3A_73 = tpu.vector_load %arg6[%get3A_72] {strides = array<i32>} : memref<128xi32, #tpu.memory_space<vmem>>, vector<16xi32>,
      %get3A_74 = vector.shape_cast %get3A_73 : vector<16xi32> to vector<16xi32>
      %ge3A_75 = arith.constant 25600 : i32
      %ge3A_76 = vector.broadcast %ge3A_75 : i32 to vector<16xi32>
      %ge3A_77 = arith.cmpi sge, %get3A_74, %ge3A_76 : vector<16xi32>
      %lt3A_78 = arith.constant 51200 : i32
      %lt3A_79 = vector.broadcast %lt3A_78 : i32 to vector<16xi32>
      %lt3A_80 = arith.cmpi slt, %get3A_74, %lt3A_79 : vector<16xi32>
      %and3A_81 = arith.andi %ge3A_77, %lt3A_80 : vector<16xi1>
      %sub3A_82 = arith.constant 25600 : i32
      %sub3A_83 = vector.broadcast %sub3A_82 : i32 to vector<16xi32>
      %sub3A_84 = arith.subi %get3A_74, %sub3A_83 : vector<16xi32>
      %jit3A_85 = arith.constant 25600 : i32
      %broadcast_in_dim3A_86 = vector.broadcast %jit3A_85 : i32 to vector<16xi32>
      %select_n3A_87 = arith.select %and3A_81, %sub3A_84, %broadcast_in_dim3A_86 : vector<16xi1>, vector<16xi32>
      %swap3A_88 = arith.constant 16 : index
      %swap3A_89 = tpu.vector_load %arg7[%swap3A_88] {strides = array<i32>} : memref<128xi32, #tpu.memory_space<vmem>>, vector<16xi32>,
      %swap3A_90 = vector.shape_cast %swap3A_89 : vector<16xi32> to vector<16xi32>
      %swap3A_91 = vector.shape_cast %select_n3A_87 : vector<16xi32> to vector<16xi32>
      tpu.vector_store %arg7[%swap3A_88], %swap3A_91 {strides = array<i32>} : memref<128xi32, #tpu.memory_space<vmem>>, vector<16xi32>,
      %get3A_92 = arith.constant 32 : index
      %get3A_93 = tpu.vector_load %arg6[%get3A_92] {strides = array<i32>} : memref<128xi32, #tpu.memory_space<vmem>>, vector<16xi32>,
      %get3A_94 = vector.shape_cast %get3A_93 : vector<16xi32> to vector<16xi32>
      %ge3A_95 = arith.constant 25600 : i32
      %ge3A_96 = vector.broadcast %ge3A_95 : i32 to vector<16xi32>
      %ge3A_97 = arith.cmpi sge, %get3A_94, %ge3A_96 : vector<16xi32>
      %lt3A_98 = arith.constant 51200 : i32
      %lt3A_99 = vector.broadcast %lt3A_98 : i32 to vector<16xi32>
      %lt3A_100 = arith.cmpi slt, %get3A_94, %lt3A_99 : vector<16xi32>
      %and3A_101 = arith.andi %ge3A_97, %lt3A_100 : vector<16xi1>
      %sub3A_102 = arith.constant 25600 : i32
      %sub3A_103 = vector.broadcast %sub3A_102 : i32 to vector<16xi32>
      %sub3A_104 = arith.subi %get3A_94, %sub3A_103 : vector<16xi32>
      %jit3A_105 = arith.constant 25600 : i32
      %broadcast_in_dim3A_106 = vector.broadcast %jit3A_105 : i32 to vector<16xi32>
      %select_n3A_107 = arith.select %and3A_101, %sub3A_104, %broadcast_in_dim3A_106 : vector<16xi1>, vector<16xi32>
      %swap3A_108 = arith.constant 32 : index
      %swap3A_109 = tpu.vector_load %arg7[%swap3A_108] {strides = array<i32>} : memref<128xi32, #tpu.memory_space<vmem>>, vector<16xi32>,
      %swap3A_110 = vector.shape_cast %swap3A_109 : vector<16xi32> to vector<16xi32>
      %swap3A_111 = vector.shape_cast %select_n3A_107 : vector<16xi32> to vector<16xi32>
      tpu.vector_store %arg7[%swap3A_108], %swap3A_111 {strides = array<i32>} : memref<128xi32, #tpu.memory_space<vmem>>, vector<16xi32>,
      %get3A_112 = arith.constant 48 : index
      %get3A_113 = tpu.vector_load %arg6[%get3A_112] {strides = array<i32>} : memref<128xi32, #tpu.memory_space<vmem>>, vector<16xi32>,
      %get3A_114 = vector.shape_cast %get3A_113 : vector<16xi32> to vector<16xi32>
      %ge3A_115 = arith.constant 25600 : i32
      %ge3A_116 = vector.broadcast %ge3A_115 : i32 to vector<16xi32>
      %ge3A_117 = arith.cmpi sge, %get3A_114, %ge3A_116 : vector<16xi32>
      %lt3A_118 = arith.constant 51200 : i32
      %lt3A_119 = vector.broadcast %lt3A_118 : i32 to vector<16xi32>
      %lt3A_120 = arith.cmpi slt, %get3A_114, %lt3A_119 : vector<16xi32>
      %and3A_121 = arith.andi %ge3A_117, %lt3A_120 : vector<16xi1>
      %sub3A_122 = arith.constant 25600 : i32
      %sub3A_123 = vector.broadcast %sub3A_122 : i32 to vector<16xi32>
      %sub3A_124 = arith.subi %get3A_114, %sub3A_123 : vector<16xi32>
      %jit3A_125 = arith.constant 25600 : i32
      %broadcast_in_dim3A_126 = vector.broadcast %jit3A_125 : i32 to vector<16xi32>
      %select_n3A_127 = arith.select %and3A_121, %sub3A_124, %broadcast_in_dim3A_126 : vector<16xi1>, vector<16xi32>
      %swap3A_128 = arith.constant 48 : index
      %swap3A_129 = tpu.vector_load %arg7[%swap3A_128] {strides = array<i32>} : memref<128xi32, #tpu.memory_space<vmem>>, vector<16xi32>,
      %swap3A_130 = vector.shape_cast %swap3A_129 : vector<16xi32> to vector<16xi32>
      %swap3A_131 = vector.shape_cast %select_n3A_127 : vector<16xi32> to vector<16xi32>
      tpu.vector_store %arg7[%swap3A_128], %swap3A_131 {strides = array<i32>} : memref<128xi32, #tpu.memory_space<vmem>>, vector<16xi32>,
      %get3A_132 = arith.constant 64 : index
      %get3A_133 = tpu.vector_load %arg6[%get3A_132] {strides = array<i32>} : memref<128xi32, #tpu.memory_space<vmem>>, vector<16xi32>,
      %get3A_134 = vector.shape_cast %get3A_133 : vector<16xi32> to vector<16xi32>
      %ge3A_135 = arith.constant 25600 : i32
      %ge3A_136 = vector.broadcast %ge3A_135 : i32 to vector<16xi32>
      %ge3A_137 = arith.cmpi sge, %get3A_134, %ge3A_136 : vector<16xi32>
      %lt3A_138 = arith.constant 51200 : i32
      %lt3A_139 = vector.broadcast %lt3A_138 : i32 to vector<16xi32>
      %lt3A_140 = arith.cmpi slt, %get3A_134, %lt3A_139 : vector<16xi32>
      %and3A_141 = arith.andi %ge3A_137, %lt3A_140 : vector<16xi1>
      %sub3A_142 = arith.constant 25600 : i32
      %sub3A_143 = vector.broadcast %sub3A_142 : i32 to vector<16xi32>
      %sub3A_144 = arith.subi %get3A_134, %sub3A_143 : vector<16xi32>
      %jit3A_145 = arith.constant 25600 : i32
      %broadcast_in_dim3A_146 = vector.broadcast %jit3A_145 : i32 to vector<16xi32>
      %select_n3A_147 = arith.select %and3A_141, %sub3A_144, %broadcast_in_dim3A_146 : vector<16xi1>, vector<16xi32>
      %swap3A_148 = arith.constant 64 : index
      %swap3A_149 = tpu.vector_load %arg7[%swap3A_148] {strides = array<i32>} : memref<128xi32, #tpu.memory_space<vmem>>, vector<16xi32>,
      %swap3A_150 = vector.shape_cast %swap3A_149 : vector<16xi32> to vector<16xi32>
      %swap3A_151 = vector.shape_cast %select_n3A_147 : vector<16xi32> to vector<16xi32>
      tpu.vector_store %arg7[%swap3A_148], %swap3A_151 {strides = array<i32>} : memref<128xi32, #tpu.memory_space<vmem>>, vector<16xi32>,
      %get3A_152 = arith.constant 80 : index
      %get3A_153 = tpu.vector_load %arg6[%get3A_152] {strides = array<i32>} : memref<128xi32, #tpu.memory_space<vmem>>, vector<16xi32>,
      %get3A_154 = vector.shape_cast %get3A_153 : vector<16xi32> to vector<16xi32>
      %ge3A_155 = arith.constant 25600 : i32
      %ge3A_156 = vector.broadcast %ge3A_155 : i32 to vector<16xi32>
      %ge3A_157 = arith.cmpi sge, %get3A_154, %ge3A_156 : vector<16xi32>
      %lt3A_158 = arith.constant 51200 : i32
      %lt3A_159 = vector.broadcast %lt3A_158 : i32 to vector<16xi32>
      %lt3A_160 = arith.cmpi slt, %get3A_154, %lt3A_159 : vector<16xi32>
      %and3A_161 = arith.andi %ge3A_157, %lt3A_160 : vector<16xi1>
      %sub3A_162 = arith.constant 25600 : i32
      %sub3A_163 = vector.broadcast %sub3A_162 : i32 to vector<16xi32>
      %sub3A_164 = arith.subi %get3A_154, %sub3A_163 : vector<16xi32>
      %jit3A_165 = arith.constant 25600 : i32
      %broadcast_in_dim3A_166 = vector.broadcast %jit3A_165 : i32 to vector<16xi32>
      %select_n3A_167 = arith.select %and3A_161, %sub3A_164, %broadcast_in_dim3A_166 : vector<16xi1>, vector<16xi32>
      %swap3A_168 = arith.constant 80 : index
      %swap3A_169 = tpu.vector_load %arg7[%swap3A_168] {strides = array<i32>} : memref<128xi32, #tpu.memory_space<vmem>>, vector<16xi32>,
      %swap3A_170 = vector.shape_cast %swap3A_169 : vector<16xi32> to vector<16xi32>
      %swap3A_171 = vector.shape_cast %select_n3A_167 : vector<16xi32> to vector<16xi32>
      tpu.vector_store %arg7[%swap3A_168], %swap3A_171 {strides = array<i32>} : memref<128xi32, #tpu.memory_space<vmem>>, vector<16xi32>,
      %get3A_172 = arith.constant 96 : index
      %get3A_173 = tpu.vector_load %arg6[%get3A_172] {strides = array<i32>} : memref<128xi32, #tpu.memory_space<vmem>>, vector<16xi32>,
      %get3A_174 = vector.shape_cast %get3A_173 : vector<16xi32> to vector<16xi32>
      %ge3A_175 = arith.constant 25600 : i32
      %ge3A_176 = vector.broadcast %ge3A_175 : i32 to vector<16xi32>
      %ge3A_177 = arith.cmpi sge, %get3A_174, %ge3A_176 : vector<16xi32>
      %lt3A_178 = arith.constant 51200 : i32
      %lt3A_179 = vector.broadcast %lt3A_178 : i32 to vector<16xi32>
      %lt3A_180 = arith.cmpi slt, %get3A_174, %lt3A_179 : vector<16xi32>
      %and3A_181 = arith.andi %ge3A_177, %lt3A_180 : vector<16xi1>
      %sub3A_182 = arith.constant 25600 : i32
      %sub3A_183 = vector.broadcast %sub3A_182 : i32 to vector<16xi32>
      %sub3A_184 = arith.subi %get3A_174, %sub3A_183 : vector<16xi32>
      %jit3A_185 = arith.constant 25600 : i32
      %broadcast_in_dim3A_186 = vector.broadcast %jit3A_185 : i32 to vector<16xi32>
      %select_n3A_187 = arith.select %and3A_181, %sub3A_184, %broadcast_in_dim3A_186 : vector<16xi1>, vector<16xi32>
      %swap3A_188 = arith.constant 96 : index
      %swap3A_189 = tpu.vector_load %arg7[%swap3A_188] {strides = array<i32>} : memref<128xi32, #tpu.memory_space<vmem>>, vector<16xi32>,
      %swap3A_190 = vector.shape_cast %swap3A_189 : vector<16xi32> to vector<16xi32>
      %swap3A_191 = vector.shape_cast %select_n3A_187 : vector<16xi32> to vector<16xi32>
      tpu.vector_store %arg7[%swap3A_188], %swap3A_191 {strides = array<i32>} : memref<128xi32, #tpu.memory_space<vmem>>, vector<16xi32>,
      %get3A_192 = arith.constant 112 : index
      %get3A_193 = tpu.vector_load %arg6[%get3A_192] {strides = array<i32>} : memref<128xi32, #tpu.memory_space<vmem>>, vector<16xi32>,
      %get3A_194 = vector.shape_cast %get3A_193 : vector<16xi32> to vector<16xi32>
      %ge3A_195 = arith.constant 25600 : i32
      %ge3A_196 = vector.broadcast %ge3A_195 : i32 to vector<16xi32>
      %ge3A_197 = arith.cmpi sge, %get3A_194, %ge3A_196 : vector<16xi32>
      %lt3A_198 = arith.constant 51200 : i32
      %lt3A_199 = vector.broadcast %lt3A_198 : i32 to vector<16xi32>
      %lt3A_200 = arith.cmpi slt, %get3A_194, %lt3A_199 : vector<16xi32>
      %and3A_201 = arith.andi %ge3A_197, %lt3A_200 : vector<16xi1>
      %sub3A_202 = arith.constant 25600 : i32
      %sub3A_203 = vector.broadcast %sub3A_202 : i32 to vector<16xi32>
      %sub3A_204 = arith.subi %get3A_194, %sub3A_203 : vector<16xi32>
      %jit3A_205 = arith.constant 25600 : i32
      %broadcast_in_dim3A_206 = vector.broadcast %jit3A_205 : i32 to vector<16xi32>
      %select_n3A_207 = arith.select %and3A_201, %sub3A_204, %broadcast_in_dim3A_206 : vector<16xi1>, vector<16xi32>
      %swap3A_208 = arith.constant 112 : index
      %swap3A_209 = tpu.vector_load %arg7[%swap3A_208] {strides = array<i32>} : memref<128xi32, #tpu.memory_space<vmem>>, vector<16xi32>,
      %swap3A_210 = vector.shape_cast %swap3A_209 : vector<16xi32> to vector<16xi32>
      %swap3A_211 = vector.shape_cast %select_n3A_207 : vector<16xi32> to vector<16xi32>
      tpu.vector_store %arg7[%swap3A_208], %swap3A_211 {strides = array<i32>} : memref<128xi32, #tpu.memory_space<vmem>>, vector<16xi32>,
      "tpu.region"() ({
        %run_scoped3A = tpu.sem_alloc : memref<!tpu.dma_semaphore, #tpu.memory_space<semaphore_mem>>
        %dma_start3A = arith.constant 0 : i32
        %dma_start3A_212 = arith.constant 0 : i32
        %dma_start3A_213 = tpu.memref_slice %arg11[%dma_start3A, %dma_start3A_212] : memref<25728x16xf32, #tpu.memory_space<vmem_shared>> -> memref<25728x16xf32, #tpu.memory_space<vmem_shared>>
        tpu.enqueue_indirect_dma source(%arg8 : memref<128x16xf32, #tpu.memory_space<vmem>>) target(%dma_start3A_213 : memref<25728x16xf32, #tpu.memory_space<vmem_shared>>) offsets(%arg7 : memref<128xi32, #tpu.memory_space<vmem>>) semaphore(%run_scoped3A : memref<!tpu.dma_semaphore, #tpu.memory_space<semaphore_mem>>) {add = true}
        %dma_wait3A = arith.constant 0 : i32
        %dma_wait3A_214 = arith.constant 0 : i32
        %dma_wait3A_215 = tpu.memref_slice %arg11[%dma_wait3A, %dma_wait3A_214] : memref<25728x16xf32, #tpu.memory_space<vmem_shared>> -> memref<25728x16xf32, #tpu.memory_space<vmem_shared>>
        tpu.wait_indirect_dma semaphore(%run_scoped3A : memref<!tpu.dma_semaphore, #tpu.memory_space<semaphore_mem>>) src(%arg8 : memref<128x16xf32, #tpu.memory_space<vmem>>) dst(%dma_wait3A_215 : memref<25728x16xf32, #tpu.memory_space<vmem_shared>>)
        tpu.yield
      }) : () -> ()
    }
    %scan3A_44 = arith.constant 200 : i32
    %barrier3A_45 = arith.constant 0 : index
    tpu.barrier barrier_id(%barrier3A_45)
    %mul3A_46 = arith.constant 1600 : i32
    %mul3A_47 = arith.muli %arg1, %mul3A_46 : i32
    "tpu.region"() ({
      %run_scoped3A = tpu.sem_alloc : memref<!tpu.dma_semaphore, #tpu.memory_space<semaphore_mem>>
      %dma_start3A = arith.constant 0 : i32
      %dma_start3A_53 = tpu.memref_slice %arg11[%mul3A_47, %dma_start3A] : memref<25728x16xf32, #tpu.memory_space<vmem_shared>> -> memref<1600x16xf32, #tpu.memory_space<vmem_shared>>
      %dma_start3A_54 = arith.constant 0 : i32
      %dma_start3A_55 = tpu.memref_slice %arg11[%mul3A_47, %dma_start3A_54] : memref<25728x16xf32, #tpu.memory_space<vmem_shared>> -> memref<1600x16xf32, #tpu.memory_space<vmem_shared>>
      tpu.enqueue_dma source(%dma_start3A_55 : memref<1600x16xf32, #tpu.memory_space<vmem_shared>>) target(%arg10 : memref<1600x16xf32, #tpu.memory_space<vmem>>) target_semaphore(%run_scoped3A : memref<!tpu.dma_semaphore, #tpu.memory_space<semaphore_mem>>)
      %dma_wait3A = arith.constant 0 : i32
      %dma_wait3A_56 = tpu.memref_slice %arg11[%mul3A_47, %dma_wait3A] : memref<25728x16xf32, #tpu.memory_space<vmem_shared>> -> memref<1600x16xf32, #tpu.memory_space<vmem_shared>>
      %dma_wait3A_57 = arith.constant 0 : i32
      %dma_wait3A_58 = tpu.memref_slice %arg11[%mul3A_47, %dma_wait3A_57] : memref<25728x16xf32, #tpu.memory_space<vmem_shared>> -> memref<1600x16xf32, #tpu.memory_space<vmem_shared>>
      tpu.wait_dma2 semaphore(%run_scoped3A : memref<!tpu.dma_semaphore, #tpu.memory_space<semaphore_mem>>) src(%dma_wait3A_58 : memref<1600x16xf32, #tpu.memory_space<vmem_shared>>) dst(%arg10 : memref<1600x16xf32, #tpu.memory_space<vmem>>)
      tpu.yield
    }) : () -> ()
    %mul3A_48 = arith.constant 1600 : i32
    %mul3A_49 = arith.muli %arg1, %mul3A_48 : i32
    %add3A_50 = arith.constant 25600 : i32
    %add3A_51 = arith.addi %add3A_50, %mul3A_49 : i32
    "tpu.region"() ({
      %run_scoped3A = tpu.sem_alloc : memref<!tpu.dma_semaphore, #tpu.memory_space<semaphore_mem>>
      %dma_start3A = arith.constant 0 : i32
      %dma_start3A_53 = tpu.memref_slice %arg5[%arg0, %add3A_51, %dma_start3A] : memref<2x51200x16xf32, #tpu.memory_space<hbm>> -> memref<1x1600x16xf32, #tpu.memory_space<hbm>>
      %dma_start3A_54 = tpu.memref_squeeze %dma_start3A_53 : memref<1x1600x16xf32, #tpu.memory_space<hbm>> -> memref<1600x16xf32, #tpu.memory_space<hbm>>
      %dma_start3A_55 = arith.constant 0 : i32
      %dma_start3A_56 = tpu.memref_slice %arg5[%arg0, %add3A_51, %dma_start3A_55] : memref<2x51200x16xf32, #tpu.memory_space<hbm>> -> memref<1x1600x16xf32, #tpu.memory_space<hbm>>
      %dma_start3A_57 = tpu.memref_squeeze %dma_start3A_56 : memref<1x1600x16xf32, #tpu.memory_space<hbm>> -> memref<1600x16xf32, #tpu.memory_space<hbm>>
      tpu.enqueue_dma source(%arg10 : memref<1600x16xf32, #tpu.memory_space<vmem>>) target(%dma_start3A_57 : memref<1600x16xf32, #tpu.memory_space<hbm>>) target_semaphore(%run_scoped3A : memref<!tpu.dma_semaphore, #tpu.memory_space<semaphore_mem>>)
      %dma_wait3A = arith.constant 0 : i32
      %dma_wait3A_58 = tpu.memref_slice %arg5[%arg0, %add3A_51, %dma_wait3A] : memref<2x51200x16xf32, #tpu.memory_space<hbm>> -> memref<1x1600x16xf32, #tpu.memory_space<hbm>>
      %dma_wait3A_59 = tpu.memref_squeeze %dma_wait3A_58 : memref<1x1600x16xf32, #tpu.memory_space<hbm>> -> memref<1600x16xf32, #tpu.memory_space<hbm>>
      %dma_wait3A_60 = arith.constant 0 : i32
      %dma_wait3A_61 = tpu.memref_slice %arg5[%arg0, %add3A_51, %dma_wait3A_60] : memref<2x51200x16xf32, #tpu.memory_space<hbm>> -> memref<1x1600x16xf32, #tpu.memory_space<hbm>>
      %dma_wait3A_62 = tpu.memref_squeeze %dma_wait3A_61 : memref<1x1600x16xf32, #tpu.memory_space<hbm>> -> memref<1600x16xf32, #tpu.memory_space<hbm>>
      tpu.wait_dma2 semaphore(%run_scoped3A : memref<!tpu.dma_semaphore, #tpu.memory_space<semaphore_mem>>) src(%arg10 : memref<1600x16xf32, #tpu.memory_space<vmem>>) dst(%dma_wait3A_62 : memref<1600x16xf32, #tpu.memory_space<hbm>>)
      tpu.yield
    }) : () -> ()
    %barrier3A_52 = arith.constant 0 : index
    tpu.barrier barrier_id(%barrier3A_52)
    return
  }
}

</mosaic_0001>

<sc_bundles>
// kernel: _sc_hist.3.cloned.1.call-start
scs
__scs_entry_jumppad:
0x0: {  	(pc) =	sbr.rel $0x88, $3  }
0x1: {  	(tag) =	ssettag $0x0;
	lr =	simm.s32 $0x1  }
0x2: {  	[smem:$0x3F9E] =	sst lr;
	_ =	strace $0xD0000000  }
0x3: {  	_ = 	snop  }
0x4: {  	_ = 	snop  }
0x5: {  	_ = 	snop  }
0x6: {  	_ = 	snop  }
0x7: {  	_ = 	snop  }
__scs_overlays_trampoline_lowered:
0x8: {  	[smem:$0x3FAD] =	sst s0  }
0x9: {  	[smem:$0x3FAE] =	sst s1  }
0xa: {  	[smem:$0x3FAF] =	sst s2  }
0xb: {  	[smem:$0x3FB0] =	sst s3  }
0xc: {  	[smem:$0x3FB1] =	sst s4  }
0xd: {  	[smem:$0x3FB2] =	sst s5  }
0xe: {  	[smem:$0x3FB3] =	sst s6  }
0xf: {  	[smem:$0x3FB4] =	sst s7  }
0x10: {  	[smem:$0x3FB5] =	sst s8  }
0x11: {  	[smem:$0x3FB6] =	sst s9;
	s0 =	simm.s32 @!p0 $0x0  }
0x12: {  	s1 =	sld [smem:$0x3F9C];
	s0 =	simm.s32 @p0 $0x1  }
0x13: {  	[smem:$0x3FB7] =	sst s0;
	s0 =	simm.s32 @!p1 $0x0  }
0x14: {  	s2 =	sld [smem:$0x3F9B];
	s0 =	simm.s32 @p1 $0x1  }
0x15: {  	[smem:$0x3FB8] =	sst s0;
	s0 =	simm.s32 @!p2 $0x0  }
0x16: {  	s3 =	sld [smem:$0x3FDB];
	s0 =	simm.s32 @p2 $0x1  }
0x17: {  	s4 =	simm.s32 $0x1BF5;
	[smem:$0x3FBA] =	sst s0  }
0x18: {  	s0 =	sld [smem:$0x3F9D];
	_ =	swait.ge [sflag:s4], $0x0  }
0x19: {  	s7 =	sld [smem:$0x3F9E]  }
0x1a: {  	s8 =	sadd.s32 $0xFFFFE003, lr  }
0x1b: {  	s9 =	sadd.s32 $0xFFFFFEF7, lr;
	s5 =	simm.s32 $0xFFFFFFFF;
	p2 =	slt.u32 s8, $0xFFFFF086  }
0x1c: {  	p1 =	slt.u32 s9, $0xF7A;
	s5 =	simm.s32 @!p2 $0x0  }
0x1d: {  	s5 =	simm.s32 @p1 $0x1;
	p0 =	seq.s32 s7, s2  }
0x1e: {  	s7 =	smul.u32 @!p0 $0xF7A, s2;
	p2 =	seq.s32 @!p0 s5, $0x0  }
0x1f: {  	s9 =	smul.u32 $0xF7A, s1;
	s8 =	simm.s32 @!p0 $0x1BF5;
	p2 =	por !p2, p0  }
0x20: {  	[sflag:s8] =	ssyncset.s32 @!p0 $0xFFFFF086;
	s6 =	sadd.s32 @!p0 s3, s7;
	s7 =	simm.s32 @!p0 $0x108  }
0x21: {  	s3 =	sadd.s32 s3, s9;
	s6 =	sadd.s32 @!p0 $0x88, s6;
	s7 =	simm.s32 @p2 $0x1082  }
0x22: {  	[simem:s7], [sflag:s8] =	dma.local @!p0 [hbm:s6], $0xF7A  }
0x23: {  	s9 =	sor.u32 $0xD0000000, s2;
	s6 =	simm.s32 $0x108;
	_ =	swait.ge @!p0 [sflag:s8], $0x0  }
0x24: {  	s3 =	sadd.s32 $0x88, s3;
	s6 =	simm.s32 @!p1 $0x1082;
	[sflag:s4] =	ssyncset.s32 $0xFFFFF086  }
0x25: {  	[simem:s6], [sflag:s4] =	dma.local [hbm:s3], $0xF7A  }
0x26: {  	[smem:$0x3F9E] =	sst s1;
	(tag) =	ssettag s2;
	_ =	strace s9  }
0x27: {  	s1 =	sld [smem:$0x3FAE]  }
0x28: {  	s2 =	sld [smem:$0x3FAF]  }
0x29: {  	s4 =	sld [smem:$0x3FB1]  }
0x2a: {  	p0 =	seq.s32 s5, $0x0;
	s5 =	sld [smem:$0x3FB2]  }
0x2b: {  	s6 =	sld [smem:$0x3FB3]  }
0x2c: {  	s7 =	sld [smem:$0x3FB4]  }
0x2d: {  	s3 =	simm.s32 $0x108;
	s8 =	sld [smem:$0x3FB5]  }
0x2e: {  	s3 =	simm.s32 @!p0 $0x1082;
	s9 =	sld [smem:$0x3FB6]  }
0x2f: {  	lr =	sadd.s32 s0, s3;
	s0 =	sld [smem:$0x3FAD]  }
0x30: {  	s3 =	sld [smem:$0x3FB0]  }
0x31: {  	[smem:$0x3FB9] =	sst s10  }
0x32: {  	s10 =	sld [smem:$0x3FB7];
	_ =	sdelay $0x3  }
0x33: {  	p0 =	seq.s32 s10, $0x1;
	s10 =	sld [smem:$0x3FB9];
	_ =	sdelay $0x3  }
0x34: {  	[smem:$0x3FB9] =	sst s10  }
0x35: {  	s10 =	sld [smem:$0x3FB8];
	_ =	sdelay $0x3  }
0x36: {  	p1 =	seq.s32 s10, $0x1;
	s10 =	sld [smem:$0x3FB9];
	_ =	sdelay $0x3  }
0x37: {  	[smem:$0x3FB9] =	sst s10  }
0x38: {  	s10 =	sld [smem:$0x3FBA]  }
0x39: {  	_ = 	snop;
	(pc) =	sbr.ind lr, $3  }
0x3a: {  	_ = 	snop  }
0x3b: {  	_ = 	snop  }
0x3c: {  	p2 =	seq.s32 s10, $0x1;
	s10 =	sld [smem:$0x3FB9]  }
0x3d: {  	_ =	shalt  }
0x3e: {  	_ =	shalt  }
0x3f: {  	_ =	shalt  }
0x40: {  	_ =	shalt  }
0x41: {  	_ =	shalt  }
0x42: {  	_ =	shalt  }
0x43: {  	_ =	shalt  }
0x44: {  	_ =	shalt  }
0x45: {  	_ =	shalt  }
0x46: {  	_ =	shalt  }
0x47: {  	_ =	shalt  }
0x48: {  	_ =	shalt  }
0x49: {  	_ =	shalt  }
0x4a: {  	_ =	shalt  }
0x4b: {  	_ =	shalt  }
0x4c: {  	_ =	shalt  }
0x4d: {  	_ =	shalt  }
0x4e: {  	_ =	shalt  }
0x4f: {  	_ =	shalt  }
0x50: {  	_ =	shalt  }
0x51: {  	_ =	shalt  }
0x52: {  	_ =	shalt  }
0x53: {  	_ =	shalt  }
0x54: {  	_ =	shalt  }
0x55: {  	_ =	shalt  }
0x56: {  	_ =	shalt  }
0x57: {  	_ =	shalt  }
0x58: {  	_ =	shalt  }
0x59: {  	_ =	shalt  }
0x5a: {  	_ =	shalt  }
0x5b: {  	_ =	shalt  }
0x5c: {  	_ =	shalt  }
0x5d: {  	_ =	shalt  }
0x5e: {  	_ =	shalt  }
0x5f: {  	_ =	shalt  }
0x60: {  	_ =	shalt  }
0x61: {  	_ =	shalt  }
0x62: {  	_ =	shalt  }
0x63: {  	_ =	shalt  }
0x64: {  	_ =	shalt  }
0x65: {  	_ =	shalt  }
0x66: {  	_ =	shalt  }
0x67: {  	_ =	shalt  }
0x68: {  	_ =	shalt  }
0x69: {  	_ =	shalt  }
0x6a: {  	_ =	shalt  }
0x6b: {  	_ =	shalt  }
0x6c: {  	_ =	shalt  }
0x6d: {  	_ =	shalt  }
0x6e: {  	_ =	shalt  }
0x6f: {  	_ =	shalt  }
0x70: {  	_ =	shalt  }
0x71: {  	_ =	shalt  }
0x72: {  	_ =	shalt  }
0x73: {  	_ =	shalt  }
0x74: {  	_ =	shalt  }
0x75: {  	_ =	shalt  }
0x76: {  	_ =	shalt  }
0x77: {  	_ =	shalt  }
0x78: {  	_ =	shalt  }
0x79: {  	_ =	shalt  }
0x7a: {  	_ =	shalt  }
0x7b: {  	_ =	shalt  }
0x7c: {  	_ =	shalt  }
0x7d: {  	_ =	shalt  }
0x7e: {  	_ =	shalt  }
0x7f: {  	_ =	shalt  }
0x80: {  	_ =	shalt  }
0x81: {  	_ =	shalt  }
0x82: {  	_ =	shalt  }
0x83: {  	_ =	shalt  }
0x84: {  	_ =	shalt  }
0x85: {  	_ =	shalt  }
0x86: {  	_ =	shalt  }
0x87: {  	_ =	shalt  }
.Lfunc_end0:
.L_simem_size_0:
called_computation_lowered:
.L_overlay_start_0:
0x88: {  	s2 =	sld [smem:$0x3FD9]  }
0x89: {  	s3 =	sld [smem:$0x3FFE];
	_ =	sdelay $0x1  }
0x8a: {  	s1 =	srdreg.scid  }
0x8b: {  	s0 =	sand.u32 $0x1, s1  }
0x8c: {  	s17 =	sshll.u32 s0, $0xA;
	s2 =	sadd.s32 s3, s2  }
0x8d: {  	s2 =	sadd.s32 s2, s17  }
0x8e: {  	[smem:$0x3FC5] =	sst s2  }
0x8f: {  	_ = 	snop  }
0x90: {  	s2 =	sld [smem:$0x3FC9]  }
0x91: {  	s18 =	sld [smem:$0x3FD0];
	(tm) =	ssettm $0x1  }
0x92: {  	s4 =	sld [smem:$0x3FFB];
	_ =	sdelay $0x3  }
0x93: {  	_ =	strace s4  }
0x94: {  	s4 =	sld [smem:$0x3FFC];
	_ =	sdelay $0x3  }
0x95: {  	_ =	strace s4  }
0x96: {  	s4 =	sld [smem:$0x3FFD];
	_ =	sdelay $0x3  }
0x97: {  	_ =	strace s4  }
0x98: {  	_ =	strace $0x8FFFFFFF  }
0x99: {  	s19 =	sld [smem:$0x3FDB];
	_ =	sdelay $0x1  }
0x9a: {  	s5 =	simm.s32 $_scs_section_size  }
0x9b: {  	s6 =	simm.s32 $_size__tile_overlayer_lowered;
	s7 =	simm.s32 $_tile_overlayer_lowered  }
0x9c: {  	s22 =	simm.s32 $0x1BFF;
	s21 =	sshll.u32 s7, $0x1;
	s4 =	sadd.s32 s5, s19  }
0x9d: {  	s8 =	simm.s32 $0x0;
	s20 =	sshll.u32 s6, $0x1;
	s6 =	sadd.s32 s21, s4  }
0x9e: {  	[timem:s8], [sflag:s22] =	dma.local [hbm:s6], s20  }
0x9f: {  	_ =	swait.ge [sflag:s22], s20  }
0xa0: {  	s5 =	ssub.s32 $0x0, s20;
	[sflag:s22] =	ssyncset.done $0x0  }
0xa1: {  	[sflag:s22] =	ssyncadd.s32 s5;
	_ =	sdelay $0x1  }
0xa2: {  	s23 =	simm.s32 $0x1B8B  }
0xa3: {  	_ =	swait.ge [sflag:s23], $0x1  }
0xa4: {  	[sflag:s23] =	ssyncset.done $0x0  }
0xa5: {  	s25 =	simm.s32 $0x1B8E;
	s24 =	sld [smem:$0x3FFE];
	[sflag:s23] =	ssyncadd.s32 $0xFFFFFFFF  }
0xa6: {  	s26 =	simm.s32 $execute0_lowered;
	[smem:$0x3FD2] =	sst s25  }
0xa7: {  	s6 =	sshll.u32 s26, $0x1;
	_ =	strace $0x80000046;
	[dreg:$0x1] =	wrdreg $0xFFFFFFFF  }
0xa8: {  	s28 =	simm.s32 $_size_execute0_lowered;
	s4 =	sadd.s32 s4, s6;
	[dreg:$0x0] =	wrdreg $0x0  }
0xa9: {  	s6 =	sshll.u32 s28, $0x1;
	[dreg:$0x2] =	wrdreg s4  }
0xaa: {  	[dreg:$0x3] =	wrdreg s6  }
0xab: {  	[dreg:$0x4] =	wrdreg $0xC0  }
0xac: {  	_ =	task [dreg:s8], $0x5FFFF  }
0xad: {  	[dreg:$0x1] =	wrdreg $0xFFFFFFFF  }
0xae: {  	[dreg:$0x0] =	wrdreg $0x60  }
0xaf: {  	[dreg:$0x2] =	wrdreg s2  }
0xb0: {  	[dreg:$0x3] =	wrdreg s24  }
0xb1: {  	[dreg:$0x4] =	wrdreg s18  }
0xb2: {  	[dreg:$0x5] =	wrdreg $0x95000  }
0xb3: {  	[dreg:$0x6] =	wrdreg $0x9  }
0xb4: {  	_ =	task.clear_ibuf [dreg:s8], $0x7FFFF;
	_ =	strace $0x90000046  }
0xb5: {  	s29 =	simm.s32 $0x9;
	_ =	strace $0x80000048  }
0xb6: {  	_ =	swait.ge [sflag:s29], $0x1  }
0xb7: {  	[sflag:s29] =	ssyncadd.s32 $0xFFFFFFFF  }
0xb8: {  	_ =	strace $0x90000048  }
0xb9: {  	_ =	sfence  }
0xba: {  	s30 =	sld [smem:$0x0];
	_ =	sdelay $0x2  }
0xbb: {  	s31 =	sshll.u32 s1, $0xD;
	s1 =	sshrl.u32 s1, $0x2  }
0xbc: {  	s3 =	sand.u32 $0x4000, s31;
	s1 =	sadd.s32 s1, s30  }
0xbd: {  	s0 =	sor.u32 s3, s0;
	s1 =	sshll.u32 s1, $0x11  }
0xbe: {  	s0 =	sor.u32 s1, s0  }
0xbf: {  	s0 =	sadd.s32 $0x8F2B, s0  }
0xc0: {  	[sflag:s0] =	ssyncadd.remote.s32 $0x1  }
0xc1: {  	_ =	sfence.sel $0xFFFF  }
0xc2: {  	[dreg:$0x0] =	wrdreg $0xFFFFFFFF;
	(pc) =	sbr.abs _section_cstart, $3  }
0xc3: {  	[dreg:$0x1] =	wrdreg $0xFFFFFFFF  }
0xc4: {  	_ =	task.clear_ibuf [dreg:s8], $0x2FFFF;
	_ =	strace $0x9FFFFFFF  }
0xc5: {  	(tm) =	ssettm $0x7FFFFFFF  }
tec
execute0_lowered:
.L_overlay_start_1:
0x0: {  	(tag) =	ssettag $0x1  }
0x1: {  	s13 =	rddreg [dreg:$0x0]  }
0x2: {  	s5 =	rddreg [dreg:$0x1]  }
0x3: {  	s10 =	rddreg [dreg:$0x2]  }
0x4: {  	s1 =	rddreg [dreg:$0x3]  }
0x5: {  	s0 =	rddreg [dreg:$0x4];
	s3 =	simm.s32 $0x0  }
0x6: {  	s2 =	stileid.u32;
	s6 =	srdreg.scid;
	s16 =	simm.s32 $0x100  }
0x7: {  	s17 =	simm.s32 $0x80;
	s18 =	simm.s32 $0x3100;
	s19 =	simm.s32 $0x0  }
0x8: {  	[smem:$0x7FF] =	sst s3;
	s4 =	sadd.s32 $0x600, s5;
	s7 =	smul.u32 $0x19200, s2  }
0x9: {  	s5 =	sadd.s32 $0x400, s5;
	s8 =	sand.u32 $0x1, s6;
	s9 =	smul.u32 $0x6400, s2  }
0xa: {  	_ =	strace $0x80000047;
	s11 =	ssub.s32 $0x2, s8;
	s12 =	smul.u32 $0xC8000, s8  }
0xb: {  	s14 =	smul.u32 $0x64000, s8;
	s28 =	sshrl.u32 s7, $0x2;
	s29 =	sshrl.u32 s11, $0x1  }
0xc: {  	s6 =	sadd.s32 s28, s1;
	s15 =	ssub.s32 s11, s29;
	s30 =	sadd.s32 s9, s12  }
0xd: {  	s31 =	sadd.s32 s9, s14;
	s9 =	sadd.s32 s9, s1;
	s7 =	sadd.s32 $0x2800, s6  }
0xe: {  	s8 =	sadd.s32 $0x5000, s6;
	s11 =	sshrl.u32 s30, $0x3;
	s14 =	sshrl.u32 s31, $0x3  }
0xf: {  	s12 =	smax.u32 s15, $0x1;
	s15 =	simm.s32 $0x1;
	s10 =	sadd.s32 s10, s11  }
0x10: {  	s13 =	sadd.s32 s14, s13;
	s14 =	simm.s32 $0x900;
	s11 =	sadd.s32 $0xC800, s10  }
.LBB2_1:
0x11: {  	[tilespmem:s14], [sflag:$0x1] =	stream.linear.gather [hbm4b:s4+s3], $0x2800, $0x38;
	[tilespmem:$0xF980] =	vst v63  }
0x12: {  	_ =	swait.ge [sflag:s15], $0x2800  }
0x13: {  	[sflag:s15] =	ssyncset.done $0x0  }
0x14: {  	[sflag:s15] =	ssyncadd.s32 $0xFFFFD800  }
0x15: {  	[tilespmem:s16], [sflag:$0x1] =	stream.linear.gather [hbm4b:s5+s3], $0x800, $0x38;
	[tilespmem:$0xF980] =	vst v63  }
0x16: {  	_ =	swait.ge [sflag:s15], $0x800  }
0x17: {  	[sflag:s15] =	ssyncset.done $0x0  }
0x18: {  	[sflag:s15] =	ssyncadd.s32 $0xFFFFF800  }
0x19: {  	[spmem:s6] =	stream.linear.scatter [tilespmem:s14], [sflag:$0x1], $0x2800, $0x38;
	[tilespmem:$0xF980] =	vst v63  }
0x1a: {  	_ =	swait.ge [sflag:s15], $0x2800  }
0x1b: {  	[sflag:s15] =	ssyncset.done $0x0  }
0x1c: {  	[sflag:s15] =	ssyncadd.s32 $0xFFFFD800  }
0x1d: {  	[spmem:s7] =	stream.linear.scatter [tilespmem:s14], [sflag:$0x1], $0x2800, $0x38;
	[tilespmem:$0xF980] =	vst v63  }
0x1e: {  	_ =	swait.ge [sflag:s15], $0x2800  }
0x1f: {  	[sflag:s15] =	ssyncset.done $0x0  }
0x20: {  	[sflag:s15] =	ssyncadd.s32 $0xFFFFD800  }
0x21: {  	[spmem:s8] =	stream.linear.scatter [tilespmem:s14], [sflag:$0x1], $0x1480, $0x38;
	[tilespmem:$0xF980] =	vst v63  }
0x22: {  	_ =	swait.ge [sflag:s15], $0x1480  }
0x23: {  	[sflag:s15] =	ssyncset.done $0x0  }
0x24: {  	[sflag:s15] =	ssyncadd.s32 $0xFFFFEB80  }
0x25: {  	s20 =	sadd.s32 $0x0, s13;
	[bflag:$0x0] =	sbarrier.arrive $0xFFFF  }
0x26: {  	[tilespmem:s3], [sflag:$0x1] =	stream.linear.gather [hbm4b:s20+s3], $0x80, $0x38;
	[tilespmem:$0xF980] =	vst v63  }
0x27: {  	_ =	swait.ge [sflag:s15], $0x80  }
0x28: {  	[sflag:s15] =	ssyncset.done $0x0  }
0x29: {  	[sflag:s15] =	ssyncadd.s32 $0xFFFFFF80  }
0x2a: {  	v0 =	vld [tilespmem:$0x70]  }
0x2b: {  	v1 =	vld [tilespmem:$0x60]  }
0x2c: {  	v2 =	vld [tilespmem:$0x50];
	_ =	sdelay $0x1  }
0x2d: {  	v3 =	vld [tilespmem:$0x40]  }
0x2e: {  	v4 =	vld [tilespmem:$0x30];
	v0 =	vmin.u32 v0, $0x6400  }
0x2f: {  	v1 =	vmin.u32 v1, $0x6400;
	[tilespmem:$0xF0] =	vst v0;
	v0 =	vld [tilespmem:$0x20]  }
0x30: {  	v2 =	vmin.u32 v2, $0x6400;
	[tilespmem:$0xE0] =	vst v1;
	v1 =	vld [tilespmem:$0x10]  }
0x31: {  	[tilespmem:$0xD0] =	vst v2;
	v2 =	vld [tilespmem:$0x0]  }
0x32: {  	v5 =	vmin.u32 v3, $0x6400  }
0x33: {  	s20 =	simm.s32 $0x10;
	v3 =	vmin.u32 v4, $0x6400;
	[tilespmem:$0xC0] =	vst v5  }
.LBB2_2:
0x34: {  	p0 =	sne.s32 s20, $0xC70;
	s21 =	smov.u32 s20;
	s20 =	sadd.s32 $0x10, s20  }
0x35: {  	v1 =	vmin.u32 v1, $0x6400;
	[tilespmem:$0xB0] =	vst v3  }
0x36: {  	v0 =	vmin.u32 v0, $0x6400;
	v2 =	vmin.u32 v2, $0x6400;
	[tilespmem:$0x90] =	vst v1  }
0x37: {  	[tilespmem:$0x80] =	vst v2  }
0x38: {  	[tilespmem:$0xA0] =	vst v0  }
0x39: {  	[spmem:s1] =	stream.indirect.scatter.add.f32 [tilespmem:s16], [sflag:$0x1], $0x10, s17, s17, $0xb8;
	[tilespmem:$0xF980] =	vst v63  }
0x3a: {  	_ =	swait.ge [sflag:s15], $0x800  }
0x3b: {  	[sflag:s15] =	ssyncset.done $0x0  }
0x3c: {  	s21 =	sadd.s32 s21, s13;
	[sflag:s15] =	ssyncadd.s32 $0xFFFFF800  }
0x3d: {  	[tilespmem:s3], [sflag:$0x1] =	stream.linear.gather [hbm4b:s21+s3], $0x80, $0x38;
	[tilespmem:$0xF980] =	vst v63  }
0x3e: {  	_ =	swait.ge [sflag:s15], $0x80  }
0x3f: {  	[sflag:s15] =	ssyncset.done $0x0  }
0x40: {  	[sflag:s15] =	ssyncadd.s32 $0xFFFFFF80  }
0x41: {  	v1 =	vld [tilespmem:$0x70]  }
0x42: {  	v2 =	vld [tilespmem:$0x60]  }
0x43: {  	v3 =	vld [tilespmem:$0x50]  }
0x44: {  	v4 =	vld [tilespmem:$0x40]  }
0x45: {  	v5 =	vld [tilespmem:$0x30]  }
.Ltmp0:
0x46: {  	v0 =	vld [tilespmem:$0x20];
	v6 =	vmin.u32 v1, $0x6400;
	(pc) =	sbr.rel @p0 .LBB2_2-.Ltmp0, $4  }
0x47: {  	v1 =	vld [tilespmem:$0x10];
	v7 =	vmin.u32 v2, $0x6400;
	[tilespmem:$0xF0] =	vst v6  }
0x48: {  	v2 =	vld [tilespmem:$0x0];
	v3 =	vmin.u32 v3, $0x6400;
	[tilespmem:$0xE0] =	vst v7  }
0x49: {  	v4 =	vmin.u32 v4, $0x6400;
	[tilespmem:$0xD0] =	vst v3  }
0x4a: {  	v3 =	vmin.u32 v5, $0x6400;
	[tilespmem:$0xC0] =	vst v4  }
0x4b: {  	[tilespmem:$0xB0] =	vst v3;
	v0 =	vmin.u32 v0, $0x6400  }
0x4c: {  	v1 =	vmin.u32 v1, $0x6400;
	[tilespmem:$0xA0] =	vst v0  }
0x4d: {  	v2 =	vmin.u32 v2, $0x6400;
	[tilespmem:$0x90] =	vst v1  }
0x4e: {  	[tilespmem:$0x80] =	vst v2  }
0x4f: {  	[spmem:s1] =	stream.indirect.scatter.add.f32 [tilespmem:s16], [sflag:$0x1], $0x10, s17, s17, $0xb8;
	[tilespmem:$0xF980] =	vst v63  }
0x50: {  	_ =	swait.ge [sflag:s15], $0x800  }
0x51: {  	[sflag:s15] =	ssyncset.done $0x0  }
0x52: {  	[sflag:s15] =	ssyncadd.s32 $0xFFFFF800  }
0x53: {  	[bflag:$0x0] =	sbarrier.arrive $0xFFFF  }
0x54: {  	[tilespmem:s18], [sflag:$0x1] =	stream.linear.gather [spmem:s9], $0x6400, $0x38;
	[tilespmem:$0xF980] =	vst v63  }
0x55: {  	_ =	swait.ge [sflag:s15], $0x6400  }
0x56: {  	[sflag:s15] =	ssyncset.done $0x0  }
0x57: {  	s20 =	simm.s32 $0x0;
	[sflag:s15] =	ssyncadd.s32 $0xFFFF9C00  }
0x58: {  	[hbm4b:s10+s20] =	stream.linear.scatter [tilespmem:s18], [sflag:$0x1], $0x6400, $0x38;
	[tilespmem:$0xF980] =	vst v63  }
0x59: {  	_ =	swait.ge [sflag:s15], $0x6400  }
0x5a: {  	[sflag:s15] =	ssyncset.done $0x0  }
0x5b: {  	[sflag:s15] =	ssyncadd.s32 $0xFFFF9C00  }
0x5c: {  	[bflag:$0x0] =	sbarrier.arrive $0xFFFF  }
0x5d: {  	[spmem:s6] =	stream.linear.scatter [tilespmem:s14], [sflag:$0x1], $0x2800, $0x38;
	[tilespmem:$0xF980] =	vst v63  }
0x5e: {  	_ =	swait.ge [sflag:s15], $0x2800  }
0x5f: {  	[sflag:s15] =	ssyncset.done $0x0  }
0x60: {  	[sflag:s15] =	ssyncadd.s32 $0xFFFFD800  }
0x61: {  	[spmem:s7] =	stream.linear.scatter [tilespmem:s14], [sflag:$0x1], $0x2800, $0x38;
	[tilespmem:$0xF980] =	vst v63  }
0x62: {  	_ =	swait.ge [sflag:s15], $0x2800  }
0x63: {  	[sflag:s15] =	ssyncset.done $0x0  }
0x64: {  	[sflag:s15] =	ssyncadd.s32 $0xFFFFD800  }
0x65: {  	[spmem:s8] =	stream.linear.scatter [tilespmem:s14], [sflag:$0x1], $0x1480, $0x38;
	[tilespmem:$0xF980] =	vst v63  }
0x66: {  	_ =	swait.ge [sflag:s15], $0x1480  }
0x67: {  	[sflag:s15] =	ssyncset.done $0x0  }
0x68: {  	[sflag:s15] =	ssyncadd.s32 $0xFFFFEB80  }
0x69: {  	s31 =	sadd.s32 $0x0, s13;
	[bflag:$0x0] =	sbarrier.arrive $0xFFFF  }
0x6a: {  	[tilespmem:s3], [sflag:$0x1] =	stream.linear.gather [hbm4b:s31+s3], $0x80, $0x38;
	[tilespmem:$0xF980] =	vst v63  }
0x6b: {  	_ =	swait.ge [sflag:s15], $0x80  }
0x6c: {  	[sflag:s15] =	ssyncset.done $0x0  }
0x6d: {  	[sflag:s15] =	ssyncadd.s32 $0xFFFFFF80  }
0x6e: {  	v0 =	vld [tilespmem:$0x0]  }
0x6f: {  	v1 =	vld [tilespmem:$0x30]  }
0x70: {  	v2 =	vld [tilespmem:$0x70]  }
0x71: {  	v3 =	vld [tilespmem:$0x60]  }
0x72: {  	v4 =	vld [tilespmem:$0x10]  }
0x73: {  	v5 =	vld [tilespmem:$0x50];
	v0 =	vadd.s32 $0xFFFF9C00, v0  }
0x74: {  	v6 =	vld [tilespmem:$0x20];
	v1 =	vadd.s32 $0xFFFF9C00, v1;
	v0 =	vmin.u32 v0, $0x6400  }
0x75: {  	v2 =	vadd.s32 $0xFFFF9C00, v2;
	[tilespmem:$0x80] =	vst v0;
	v0 =	vmin.u32 v1, $0x6400;
	v1 =	vld [tilespmem:$0x40]  }
0x76: {  	v2 =	vmin.u32 v2, $0x6400;
	[tilespmem:$0xB0] =	vst v0;
	v0 =	vadd.s32 $0xFFFF9C00, v3  }
0x77: {  	[tilespmem:$0xF0] =	vst v2;
	v3 =	vadd.s32 $0xFFFF9C00, v4;
	v0 =	vmin.u32 v0, $0x6400  }
0x78: {  	v2 =	vmin.u32 v3, $0x6400;
	v3 =	vadd.s32 $0xFFFF9C00, v5;
	[tilespmem:$0xE0] =	vst v0  }
0x79: {  	[tilespmem:$0x90] =	vst v2;
	v0 =	vadd.s32 $0xFFFF9C00, v6;
	v2 =	vmin.u32 v3, $0x6400  }
0x7a: {  	s21 =	simm.s32 $0x10;
	s22 =	simm.s32 $0x30;
	s20 =	simm.s32 $0x20;
	v0 =	vmin.u32 v0, $0x6400;
	[tilespmem:$0xD0] =	vst v2;
	v1 =	vadd.s32 $0xFFFF9C00, v1  }
.LBB2_4:
0x7b: {  	p0 =	sne.s32 s22, $0xC70;
	[tilespmem:$0xA0] =	vst v0;
	v0 =	vmin.u32 v1, $0x6400;
	s23 =	smov.u32 s22;
	s22 =	sadd.s32 $0x10, s22  }
0x7c: {  	[tilespmem:$0xC0] =	vst v0  }
0x7d: {  	[spmem:s1] =	stream.indirect.scatter.add.f32 [tilespmem:s16], [sflag:$0x1], $0x10, s17, s17, $0xb8;
	[tilespmem:$0xF980] =	vst v63  }
0x7e: {  	_ =	swait.ge [sflag:s15], $0x800  }
0x7f: {  	[sflag:s15] =	ssyncset.done $0x0  }
0x80: {  	s24 =	sadd.s32 s21, s13;
	s21 =	smov.u32 s20;
	[sflag:s15] =	ssyncadd.s32 $0xFFFFF800  }
0x81: {  	[tilespmem:s3], [sflag:$0x1] =	stream.linear.gather [hbm4b:s24+s3], $0x80, $0x38;
	[tilespmem:$0xF980] =	vst v63  }
0x82: {  	s20 =	smov.u32 s23;
	_ =	swait.ge [sflag:s15], $0x80  }
0x83: {  	[sflag:s15] =	ssyncset.done $0x0  }
0x84: {  	[sflag:s15] =	ssyncadd.s32 $0xFFFFFF80  }
0x85: {  	v0 =	vld [tilespmem:$0x0]  }
0x86: {  	v1 =	vld [tilespmem:$0x30]  }
0x87: {  	v2 =	vld [tilespmem:$0x70]  }
0x88: {  	v3 =	vld [tilespmem:$0x60]  }
0x89: {  	v4 =	vld [tilespmem:$0x10]  }
0x8a: {  	v0 =	vadd.s32 $0xFFFF9C00, v0;
	v5 =	vld [tilespmem:$0x50]  }
0x8b: {  	v0 =	vmin.u32 v0, $0x6400;
	v6 =	vld [tilespmem:$0x20];
	v1 =	vadd.s32 $0xFFFF9C00, v1  }
0x8c: {  	[tilespmem:$0x80] =	vst v0;
	v0 =	vmin.u32 v1, $0x6400;
	v1 =	vld [tilespmem:$0x40];
	v2 =	vadd.s32 $0xFFFF9C00, v2  }
.Ltmp1:
0x8d: {  	[tilespmem:$0xB0] =	vst v0;
	v0 =	vadd.s32 $0xFFFF9C00, v3;
	v2 =	vmin.u32 v2, $0x6400;
	(pc) =	sbr.rel @p0 .LBB2_4-.Ltmp1, $4  }
0x8e: {  	v3 =	vadd.s32 $0xFFFF9C00, v4;
	v0 =	vmin.u32 v0, $0x6400;
	[tilespmem:$0xF0] =	vst v2  }
0x8f: {  	v2 =	vmin.u32 v3, $0x6400;
	v3 =	vadd.s32 $0xFFFF9C00, v5;
	[tilespmem:$0xE0] =	vst v0  }
0x90: {  	[tilespmem:$0x90] =	vst v2;
	v0 =	vadd.s32 $0xFFFF9C00, v6;
	v2 =	vmin.u32 v3, $0x6400  }
0x91: {  	v0 =	vmin.u32 v0, $0x6400;
	v1 =	vadd.s32 $0xFFFF9C00, v1;
	[tilespmem:$0xD0] =	vst v2  }
0x92: {  	[tilespmem:$0xA0] =	vst v0;
	v36 =	vmin.u32 v1, $0x6400  }
0x93: {  	[tilespmem:$0xC0] =	vst v36  }
0x94: {  	[spmem:s1] =	stream.indirect.scatter.add.f32 [tilespmem:s16], [sflag:$0x1], $0x10, s17, s17, $0xb8;
	[tilespmem:$0xF980] =	vst v63  }
0x95: {  	_ =	swait.ge [sflag:s15], $0x800  }
0x96: {  	[sflag:s15] =	ssyncset.done $0x0  }
0x97: {  	s21 =	sadd.s32 s21, s13;
	[sflag:s15] =	ssyncadd.s32 $0xFFFFF800  }
0x98: {  	[tilespmem:s3], [sflag:$0x1] =	stream.linear.gather [hbm4b:s21+s3], $0x80, $0x38;
	[tilespmem:$0xF980] =	vst v63  }
0x99: {  	_ =	swait.ge [sflag:s15], $0x80  }
0x9a: {  	[sflag:s15] =	ssyncset.done $0x0  }
0x9b: {  	[sflag:s15] =	ssyncadd.s32 $0xFFFFFF80  }
0x9c: {  	v37 =	vld [tilespmem:$0x0]  }
0x9d: {  	v38 =	vld [tilespmem:$0x30]  }
0x9e: {  	v2 =	vld [tilespmem:$0x70]  }
0x9f: {  	v4 =	vld [tilespmem:$0x10]  }
0xa0: {  	v5 =	vld [tilespmem:$0x50]  }
0xa1: {  	v3 =	vld [tilespmem:$0x60];
	v0 =	vadd.s32 $0xFFFF9C00, v37  }
0xa2: {  	v40 =	vld [tilespmem:$0x40];
	v1 =	vadd.s32 $0xFFFF9C00, v38;
	v0 =	vmin.u32 v0, $0x6400  }
0xa3: {  	v6 =	vld [tilespmem:$0x20];
	v2 =	vadd.s32 $0xFFFF9C00, v2;
	v39 =	vmin.u32 v1, $0x6400;
	[tilespmem:$0x80] =	vst v0  }
0xa4: {  	v42 =	vadd.s32 $0xFFFF9C00, v4;
	v2 =	vmin.u32 v2, $0x6400;
	[tilespmem:$0xB0] =	vst v39  }
0xa5: {  	v44 =	vadd.s32 $0xFFFF9C00, v5;
	v43 =	vmin.u32 v42, $0x6400;
	[tilespmem:$0xF0] =	vst v2  }
0xa6: {  	v41 =	vadd.s32 $0xFFFF9C00, v3;
	v46 =	vmin.u32 v44, $0x6400;
	[tilespmem:$0x90] =	vst v43  }
0xa7: {  	v1 =	vadd.s32 $0xFFFF9C00, v40;
	v0 =	vmin.u32 v41, $0x6400;
	[tilespmem:$0xD0] =	vst v46  }
0xa8: {  	v45 =	vadd.s32 $0xFFFF9C00, v6;
	v47 =	vmin.u32 v1, $0x6400;
	[tilespmem:$0xE0] =	vst v0  }
0xa9: {  	v0 =	vmin.u32 v45, $0x6400;
	[tilespmem:$0xC0] =	vst v47  }
0xaa: {  	[tilespmem:$0xA0] =	vst v0  }
0xab: {  	[spmem:s1] =	stream.indirect.scatter.add.f32 [tilespmem:s16], [sflag:$0x1], $0x10, s17, s17, $0xb8;
	[tilespmem:$0xF980] =	vst v63  }
0xac: {  	_ =	swait.ge [sflag:s15], $0x800  }
0xad: {  	[sflag:s15] =	ssyncset.done $0x0  }
0xae: {  	s20 =	sadd.s32 s20, s13;
	[sflag:s15] =	ssyncadd.s32 $0xFFFFF800  }
0xaf: {  	[tilespmem:s3], [sflag:$0x1] =	stream.linear.gather [hbm4b:s20+s3], $0x80, $0x38;
	[tilespmem:$0xF980] =	vst v63  }
0xb0: {  	_ =	swait.ge [sflag:s15], $0x80  }
0xb1: {  	[sflag:s15] =	ssyncset.done $0x0  }
0xb2: {  	[sflag:s15] =	ssyncadd.s32 $0xFFFFFF80  }
0xb3: {  	v48 =	vld [tilespmem:$0x0]  }
0xb4: {  	v49 =	vld [tilespmem:$0x30]  }
0xb5: {  	v50 =	vld [tilespmem:$0x70]  }
0xb6: {  	v52 =	vld [tilespmem:$0x10]  }
0xb7: {  	v53 =	vld [tilespmem:$0x50]  }
0xb8: {  	v51 =	vld [tilespmem:$0x60];
	v0 =	vadd.s32 $0xFFFF9C00, v48  }
0xb9: {  	v56 =	vld [tilespmem:$0x40];
	v1 =	vadd.s32 $0xFFFF9C00, v49;
	v0 =	vmin.u32 v0, $0x6400  }
0xba: {  	v54 =	vld [tilespmem:$0x20];
	v2 =	vadd.s32 $0xFFFF9C00, v50;
	v55 =	vmin.u32 v1, $0x6400;
	[tilespmem:$0x80] =	vst v0  }
0xbb: {  	v58 =	vadd.s32 $0xFFFF9C00, v52;
	v2 =	vmin.u32 v2, $0x6400;
	[tilespmem:$0xB0] =	vst v55  }
0xbc: {  	v60 =	vadd.s32 $0xFFFF9C00, v53;
	v59 =	vmin.u32 v58, $0x6400;
	[tilespmem:$0xF0] =	vst v2  }
0xbd: {  	v57 =	vadd.s32 $0xFFFF9C00, v51;
	v62 =	vmin.u32 v60, $0x6400;
	[tilespmem:$0x90] =	vst v59  }
0xbe: {  	v1 =	vadd.s32 $0xFFFF9C00, v56;
	v0 =	vmin.u32 v57, $0x6400;
	[tilespmem:$0xD0] =	vst v62  }
0xbf: {  	v61 =	vadd.s32 $0xFFFF9C00, v54;
	v63 =	vmin.u32 v1, $0x6400;
	[tilespmem:$0xE0] =	vst v0  }
0xc0: {  	v0 =	vmin.u32 v61, $0x6400;
	[tilespmem:$0xC0] =	vst v63  }
0xc1: {  	[tilespmem:$0xA0] =	vst v0  }
0xc2: {  	[spmem:s1] =	stream.indirect.scatter.add.f32 [tilespmem:s16], [sflag:$0x1], $0x10, s17, s17, $0xb8;
	[tilespmem:$0xF980] =	vst v63  }
0xc3: {  	_ =	swait.ge [sflag:s15], $0x800  }
0xc4: {  	[sflag:s15] =	ssyncset.done $0x0  }
0xc5: {  	[sflag:s15] =	ssyncadd.s32 $0xFFFFF800  }
0xc6: {  	[bflag:$0x0] =	sbarrier.arrive $0xFFFF  }
0xc7: {  	[tilespmem:s18], [sflag:$0x1] =	stream.linear.gather [spmem:s9], $0x6400, $0x38;
	[tilespmem:$0xF980] =	vst v63  }
0xc8: {  	_ =	swait.ge [sflag:s15], $0x6400  }
0xc9: {  	s19 =	sadd.s32 $0x1, s19;
	[sflag:s15] =	ssyncset.done $0x0  }
0xca: {  	p0 =	sne.s32 s19, s12;
	[sflag:s15] =	ssyncadd.s32 $0xFFFF9C00  }
0xcb: {  	[hbm4b:s11+s3] =	stream.linear.scatter [tilespmem:s18], [sflag:$0x1], $0x6400, $0x38;
	[tilespmem:$0xF980] =	vst v63  }
.Ltmp2:
0xcc: {  	_ =	swait.ge [sflag:s15], $0x6400;
	(pc) =	sbr.rel @p0 .LBB2_1-.Ltmp2, $3  }
0xcd: {  	[sflag:s15] =	ssyncset.done $0x0  }
0xce: {  	[sflag:s15] =	ssyncadd.s32 $0xFFFF9C00  }
0xcf: {  	[bflag:$0x0] =	sbarrier.arrive $0xFFFF;
	_ =	sdelay $0x1  }
0xd0: {  	_ =	sfence.sel $0x180000  }
0xd1: {  	[bflag:$0x0] =	sbarrier.arrive $0xFFFF  }
0xd2: {  	p0 =	sne.s32 s2, $0x0;
	_ =	strace $0x90000047  }
0xd3: {  	s0 =	sadd.s32 @!p0 $0x100000, s0;
	[bflag:$0x2] =	sbarrier.arrive $0xFFFF  }
0xd4: {  	[sflag:s0] =	ssyncadd.tile.s32 @!p0 $0x1;
	_ =	shalt  }
.Lfunc_end2:
_tile_overlayer_lowered:
.L_overlay_start_2:
0xd5: {  	(tag) =	ssettag $0x2  }
0xd6: {  	s0 =	rddreg [dreg:$0x0];
	s2 =	stileid.u32  }
0xd7: {  	s1 =	rddreg [dreg:$0x1];
	p0 =	sne.s32 s2, $0x0  }
0xd8: {  	s3 =	rddreg [dreg:$0x2];
	[bflag:$0x3] =	sbarrier.arrive $0xFFFF;
	s2 =	simm.s32 @!p0 $0x1C01  }
0xd9: {  	[timem:s3], [sflag:s2] =	dma.local @!p0 [hbm:s0], s1  }
0xda: {  	s0 =	simm.s32 @!p0 $0x1  }
0xdb: {  	_ =	swait.ge @!p0 [sflag:s0], s1  }
0xdc: {  	s1 =	ssub.s32 @!p0 $0x0, s1;
	[sflag:s0] =	ssyncset.done @!p0 $0x0  }
0xdd: {  	[sflag:s0] =	ssyncadd.s32 @!p0 s1  }
0xde: {  	[bflag:$0x3] =	sbarrier.arrive $0xFFFF  }
0xdf: {  	_ =	shalt  }

</sc_bundles>
